<compile_context>
chip_gen: v7x
topology: tpu7x:2x2x1
jax: 0.10.2.dev20260603
libtpu: 0.0.44.dev20260713+nightly
codegen_flags: <defaults>
</compile_context>

<pallas_src>
import functools

import jax
import jax.numpy as jnp
from jax import lax
from jax.experimental import pallas as pl
from jax.experimental.pallas import tpu as pltpu
from jax.experimental.pallas import tpu_sc as plsc

ALPHA = 0.7
TEMP = 2.0
PAD_ID = 0
TOPK = 128

_ROWS_PER_BLOCK = 8
_NUM_WORKERS = 32
_LANES = 16
_NBIN = 256
_UNROLL = 8


def _keys_of(v):
    ti = lax.bitcast_convert_type(v, jnp.int32)
    return ti ^ ((ti >> 31) & jnp.int32(0x7FFFFFFF))




def _sc_scan(hist_ref, b0, rn):

    def cond(st):
        return jnp.logical_not(st[3])

    def body(st):
        b, carry, rr, _ = st
        tot = jnp.sum(hist_ref[pl.ds(b * _LANES, _LANES)])
        within = (carry + tot) >= rr
        return (
            jnp.where(within, b, b - 1),
            jnp.where(within, carry, carry + tot),
            rr,
            within,
        )

    st = lax.while_loop(cond, body, (b0, jnp.int32(0), rn, jnp.bool_(False)))
    return st[0], st[2] - st[1]


def _sc_threshold_body(t_hbm, thr_hbm, row_v, key_v, hist_v, thr_v, *,
                       rows_per_w, vocab, topk):
    nvec = vocab // _LANES
    ones = jnp.ones((_LANES,), jnp.int32)
    zvec = jnp.zeros((_LANES,), jnp.int32)
    lane = lax.broadcasted_iota(jnp.int32, (_LANES,), 0)
    wid = lax.axis_index("s") * 2 + lax.axis_index("c")
    base = wid * rows_per_w

    def row_body(lr, thrvec):
        pltpu.sync_copy(t_hbm.at[base + lr], row_v)

        prefix = jnp.int32(0)
        rn = jnp.int32(topk)
        for level in range(4):
            sh = 24 - 8 * level

            def zbody(j, _):
                for k in range(_UNROLL):
                    hist_v[pl.ds((j * _UNROLL + k) * _LANES, _LANES)] = zvec
                return 0

            lax.fori_loop(0, _NBIN // _UNROLL, zbody, 0)

            def pbody(i, bmax, level=level, sh=sh, prefix=prefix):
                for k in range(_UNROLL):
                    off = (i * _UNROLL + k) * _LANES
                    if level == 0:
                        v = row_v[pl.ds(off, _LANES)]
                        key = _keys_of(v)
                        key_v[pl.ds(off, _LANES)] = key
                        b = (key >> 24) + 128
                        idx = (b << 4) | lane
                        plsc.addupdate_scatter(hist_v, [idx], ones)
                        bmax = jnp.maximum(bmax, b)
                    else:
                        key = key_v[pl.ds(off, _LANES)]
                        m = (key >> (sh + 8)) == prefix
                        b = (key >> sh) & jnp.int32(0xFF)
                        idx = (b << 4) | lane
                        plsc.addupdate_scatter(hist_v, [idx], ones, mask=m)
                        bmax = jnp.maximum(bmax, jnp.where(m, b, 0))
                return bmax

            bmax = lax.fori_loop(0, nvec // _UNROLL, pbody, zvec)
            bin_l, rn = _sc_scan(hist_v, jnp.max(bmax), rn)
            if level == 0:
                prefix = bin_l - 128
            else:
                prefix = (prefix << 8) | bin_l

        thrvec = jnp.where(lane == (lr % _LANES), prefix, thrvec)

        @pl.when(lr % _LANES == _LANES - 1)
        def _flush():
            thr_v[pl.ds((lr // _LANES) * _LANES, _LANES)] = thrvec

        return thrvec

    lax.fori_loop(0, rows_per_w, row_body, zvec)
    pltpu.sync_copy(thr_v, thr_hbm.at[pl.ds(base, rows_per_w)])


def _sc_thresholds(t2):
    n, vocab = t2.shape
    rows_per_w = n // _NUM_WORKERS
    mesh = plsc.VectorSubcoreMesh(core_axis_name="c", subcore_axis_name="s")
    body = functools.partial(
        _sc_threshold_body, rows_per_w=rows_per_w, vocab=vocab, topk=TOPK)
    return pl.kernel(
        body,
        out_type=jax.ShapeDtypeStruct((n,), jnp.int32),
        mesh=mesh,
        compiler_params=pltpu.CompilerParams(needs_layout_passes=False),
        scratch_types=[
            pltpu.VMEM((vocab,), jnp.float32),
            pltpu.VMEM((vocab,), jnp.int32),
            pltpu.VMEM((_NBIN * _LANES,), jnp.int32),
            pltpu.VMEM((rows_per_w,), jnp.int32),
        ],
    )(t2)




def _loss_block_kernel(s_ref, t_ref, lab_ref, am_ref, thr_ref, kl_ref, nm_ref,
                       ce_ref, nv_ref, *, n_rows, temp, pad_id):
    i = pl.program_id(0)
    r = s_ref.shape[0]
    v = s_ref.shape[1]

    s = s_ref[...]
    t = t_ref[...]
    lab = lab_ref[0]
    am = am_ref[0]
    thr = thr_ref[0]

    row_ids = i * r + jax.lax.broadcasted_iota(jnp.int32, (r, 1), 0)
    row_valid = row_ids < n_rows

    inv_t = jnp.float32(1.0 / temp)

    m = jnp.max(s, axis=-1, keepdims=True)
    sm = s - m
    e1 = jnp.exp(sm * inv_t)
    if temp == 2.0:
        e2 = e1 * e1
    else:
        e2 = jnp.exp(sm)
    log_z1 = jnp.log(jnp.sum(e1, axis=-1, keepdims=True))
    log_z2 = jnp.log(jnp.sum(e2, axis=-1, keepdims=True))

    col = jax.lax.broadcasted_iota(jnp.int32, (r, v), 1)
    s_lab = jnp.sum(jnp.where(col == lab, s, 0.0), axis=-1, keepdims=True)
    nll = -(s_lab - m - log_z2)
    valid = (lab != pad_id) & row_valid
    ce_part = jnp.sum(jnp.where(valid, nll, 0.0))
    nv_part = jnp.sum(valid.astype(jnp.float32))

    keep = _keys_of(t) >= thr

    mt = jnp.max(t, axis=-1, keepdims=True)
    tm = (t - mt) * inv_t
    et = jnp.where(keep, jnp.exp(tm), 0.0)
    zt = jnp.sum(et, axis=-1, keepdims=True)
    log_zt = jnp.log(zt)
    log_ps = sm * inv_t - log_z1
    klt = et * (tm - log_zt - log_ps)
    kl_row = jnp.sum(jnp.where(keep, klt, 0.0), axis=-1, keepdims=True) / zt
    rmask = (am != 0) & row_valid
    kl_part = jnp.sum(jnp.where(rmask, kl_row, 0.0))
    nm_part = jnp.sum(rmask.astype(jnp.float32))

    zero = jnp.zeros((1, 1), jnp.float32)

    @pl.when(i == 0)
    def _init():
        kl_ref[...] = zero
        nm_ref[...] = zero
        ce_ref[...] = zero
        nv_ref[...] = zero

    kl_ref[...] = kl_ref[...] + kl_part
    nm_ref[...] = nm_ref[...] + nm_part
    ce_ref[...] = ce_ref[...] + ce_part
    nv_ref[...] = nv_ref[...] + nv_part


def kernel(student_logits, teacher_logits, labels, attention_mask):
    b, s, v = teacher_logits.shape
    n = b * s
    n_rows = b * (s - 1)

    s2 = student_logits.reshape(n, v)
    t2 = teacher_logits.reshape(n, v)
    lab = jnp.concatenate(
        [labels.reshape(n)[1:], jnp.full((1,), PAD_ID, jnp.int32)])
    am = jnp.concatenate(
        [attention_mask.reshape(n)[1:].astype(jnp.int32),
         jnp.zeros((1,), jnp.int32)])

    thr = _sc_thresholds(t2)

    r = _ROWS_PER_BLOCK
    nb = n // r
    lab3 = lab.reshape(nb, r, 1)
    am3 = am.reshape(nb, r, 1)
    thr3 = thr.reshape(nb, r, 1)

    body = functools.partial(
        _loss_block_kernel, n_rows=n_rows, temp=TEMP, pad_id=PAD_ID)

    out_sds = [jax.ShapeDtypeStruct((1, 1), jnp.float32)] * 4
    scalar_spec = pl.BlockSpec((1, 1), lambda i: (0, 0))
    small_spec = pl.BlockSpec((1, r, 1), lambda i: (i, 0, 0))
    kl_sum, nm, ce_sum, nv = pl.pallas_call(
        body,
        grid=(nb,),
        in_specs=[
            pl.BlockSpec((r, v), lambda i: (i, 0)),
            pl.BlockSpec((r, v), lambda i: (i, 0)),
            small_spec,
            small_spec,
            small_spec,
        ],
        out_specs=[scalar_spec] * 4,
        out_shape=out_sds,
    )(s2, t2, lab3, am3, thr3)

    kl = kl_sum[0, 0] / jnp.maximum(nm[0, 0], 1.0) * (TEMP * TEMP)
    ce = ce_sum[0, 0] / jnp.maximum(nv[0, 0], 1.0)
    return ALPHA * kl + (1.0 - ALPHA) * ce

# --- scband reference (transcript-rebuilt; emitter-appended) ---
"""Pipeline reference for scband-distillation-loss-with-top-k-5858335392432 (READ-ONLY COPY).

The authoritative reference and input builder live on the scoring server;
editing this copy changes nothing except your own understanding.
"""

import jax, jax.numpy as jnp
import numpy as np

ALPHA = 0.7
TEMP = 2.0
PAD_ID = 0
TOPK = 128
B, S, V = 1, 2048, 32768


def setup_inputs(seed: int = 0) -> dict:
    key = jax.random.key(seed)
    k1, k2, k3 = jax.random.split(key, 3)
    student_logits = jax.random.normal(k1, (B, S, V), dtype=jnp.float32)
    teacher_logits = jax.random.normal(k2, (B, S, V), dtype=jnp.float32)
    labels = jax.random.randint(k3, (B, S), 0, V, dtype=jnp.int32)
    attention_mask = jnp.ones((B, S), dtype=jnp.bool_)
    return {
        "student_logits": student_logits,
        "teacher_logits": teacher_logits,
        "labels": labels,
        "attention_mask": attention_mask,
    }


def reference(student_logits, teacher_logits, labels, attention_mask):
    T = TEMP
    Bq, Sq, Vq = teacher_logits.shape
    shift_s = student_logits[:, :-1, :].astype(jnp.float32)
    shift_t = teacher_logits[:, :-1, :].astype(jnp.float32)
    shift_labels = labels[:, 1:]
    pad_mask = attention_mask[:, 1:].astype(jnp.bool_)

    BS1 = Bq * (Sq - 1)
    flat_s = shift_s.reshape(BS1, Vq)
    flat_t = shift_t.reshape(BS1, Vq)
    flat_mask = pad_mask.reshape(BS1)
    flat_lab = shift_labels.reshape(BS1)

    # top-K truncation of teacher logits (scatter top-k values into -inf canvas)
    topk_vals, topk_idx = jax.lax.top_k(flat_t, TOPK)
    neg = jnp.full_like(flat_t, -jnp.inf)
    rows = jnp.arange(BS1)[:, None]
    flat_t_trunc = neg.at[rows, topk_idx].set(topk_vals)

    # masked KL (equivalent to masked-select then batchmean KLDiv)
    soft_teacher = jax.nn.softmax(flat_t_trunc / T, axis=-1)
    log_student = jax.nn.log_softmax(flat_s / T, axis=-1)
    log_teacher = jax.nn.log_softmax(flat_t_trunc / T, axis=-1)
    safe_log_teacher = jnp.where(soft_teacher > 0, log_teacher, 0.0)
    kl_row = jnp.sum(soft_teacher * (safe_log_teacher - log_student), axis=-1)
    n_rows = jnp.maximum(jnp.sum(flat_mask.astype(jnp.float32)), 1.0)
    kl = jnp.sum(jnp.where(flat_mask, kl_row, 0.0)) / n_rows * (T * T)

    # cross entropy over full (untruncated, untempered) student logits with ignore_index=PAD_ID
    logp = jax.nn.log_softmax(flat_s, axis=-1)
    nll = -jnp.take_along_axis(logp, flat_lab[:, None], axis=-1)[:, 0]
    valid = flat_lab != PAD_ID
    n_valid = jnp.maximum(jnp.sum(valid.astype(jnp.float32)), 1.0)
    ce = jnp.sum(jnp.where(valid, nll, 0.0)) / n_valid

    return ALPHA * kl + (1.0 - ALPHA) * ce

if __name__ == "__main__":
    import jax
    _d = setup_inputs()
    print(jax.jit(kernel)(*tuple(_d.values())))

</pallas_src>

<mosaic_0001>
#map = affine_map<(d0, d1) -> (0, 0)>
#map1 = affine_map<(d0, d1) -> (0)>
module attributes {stable_mosaic.version = 14 : i64} {
  func.func @_sc_threshold_body(%arg0: i32, %arg1: i32, %arg2: memref<2048x32768xf32, #tpu.memory_space<hbm>>, %arg3: memref<2048xi32, #tpu.memory_space<hbm>>, %arg4: memref<32768xf32, #tpu.memory_space<vmem>>, %arg5: memref<32768xi32, #tpu.memory_space<vmem>>, %arg6: memref<4096xi32, #tpu.memory_space<vmem>>, %arg7: memref<64xi32, #tpu.memory_space<vmem>>) attributes {dimension_semantics = [#tpu.dimension_semantics<core_parallel>, #tpu.dimension_semantics<subcore_parallel>], iteration_bounds = array<i64: 2, 16>, scalar_prefetch = 0 : i64, scratch_operands = 4 : i64, tpu.core_type = #tpu.core_type<sc_vector_subcore>, window_params = [{transform_indices = #map}, {transform_indices = #map1}]} {
    %broadcast_in_dim3A = arith.constant 1 : i32
    %broadcast_in_dim3A_0 = vector.broadcast %broadcast_in_dim3A : i32 to vector<16xi32>
    %broadcast_in_dim3A_1 = arith.constant 0 : i32
    %broadcast_in_dim3A_2 = vector.broadcast %broadcast_in_dim3A_1 : i32 to vector<16xi32>
    %iota3A = tpu.iota {dimensions = array<i32: 0>} : vector<16xi32>
    %mul3A = arith.constant 2 : i32
    %mul3A_3 = arith.muli %arg1, %mul3A : i32
    %add3A = arith.addi %mul3A_3, %arg0 : i32
    %mul3A_4 = arith.constant 64 : i32
    %mul3A_5 = arith.muli %add3A, %mul3A_4 : i32
    %scan3A = arith.constant 0 : i32
    %scan3A_6 = arith.constant 64 : i32
    %scan3A_7 = arith.addi %scan3A, %scan3A_6 : i32
    %scan3A_8 = arith.constant 1 : i32
    %scan3A_9 = scf.for %scan3A_11 = %scan3A to %scan3A_7 step %scan3A_8 iter_args(%scan3A_12 = %broadcast_in_dim3A_2) -> (vector<16xi32>)  : i32 {
      %add3A_13 = arith.addi %mul3A_5, %scan3A_11 : i32
      "tpu.region"() ({
        %run_scoped3A = tpu.sem_alloc : memref<!tpu.dma_semaphore, #tpu.memory_space<semaphore_mem>>
        %dma_start3A = arith.constant 0 : i32
        %dma_start3A_154 = tpu.memref_slice %arg2[%add3A_13, %dma_start3A] : memref<2048x32768xf32, #tpu.memory_space<hbm>> -> memref<1x32768xf32, #tpu.memory_space<hbm>>
        %dma_start3A_155 = tpu.memref_squeeze %dma_start3A_154 : memref<1x32768xf32, #tpu.memory_space<hbm>> -> memref<32768xf32, #tpu.memory_space<hbm>>
        %dma_start3A_156 = arith.constant 0 : i32
        %dma_start3A_157 = tpu.memref_slice %arg2[%add3A_13, %dma_start3A_156] : memref<2048x32768xf32, #tpu.memory_space<hbm>> -> memref<1x32768xf32, #tpu.memory_space<hbm>>
        %dma_start3A_158 = tpu.memref_squeeze %dma_start3A_157 : memref<1x32768xf32, #tpu.memory_space<hbm>> -> memref<32768xf32, #tpu.memory_space<hbm>>
        tpu.enqueue_dma source(%dma_start3A_158 : memref<32768xf32, #tpu.memory_space<hbm>>) target(%arg4 : memref<32768xf32, #tpu.memory_space<vmem>>) target_semaphore(%run_scoped3A : memref<!tpu.dma_semaphore, #tpu.memory_space<semaphore_mem>>)
        %dma_wait3A = arith.constant 0 : i32
        %dma_wait3A_159 = tpu.memref_slice %arg2[%add3A_13, %dma_wait3A] : memref<2048x32768xf32, #tpu.memory_space<hbm>> -> memref<1x32768xf32, #tpu.memory_space<hbm>>
        %dma_wait3A_160 = tpu.memref_squeeze %dma_wait3A_159 : memref<1x32768xf32, #tpu.memory_space<hbm>> -> memref<32768xf32, #tpu.memory_space<hbm>>
        %dma_wait3A_161 = arith.constant 0 : i32
        %dma_wait3A_162 = tpu.memref_slice %arg2[%add3A_13, %dma_wait3A_161] : memref<2048x32768xf32, #tpu.memory_space<hbm>> -> memref<1x32768xf32, #tpu.memory_space<hbm>>
        %dma_wait3A_163 = tpu.memref_squeeze %dma_wait3A_162 : memref<1x32768xf32, #tpu.memory_space<hbm>> -> memref<32768xf32, #tpu.memory_space<hbm>>
        tpu.wait_dma2 semaphore(%run_scoped3A : memref<!tpu.dma_semaphore, #tpu.memory_space<semaphore_mem>>) src(%dma_wait3A_163 : memref<32768xf32, #tpu.memory_space<hbm>>) dst(%arg4 : memref<32768xf32, #tpu.memory_space<vmem>>)
        tpu.yield
      }) : () -> ()
      %scan3A_14 = arith.constant 0 : i32
      %scan3A_15 = arith.constant 0 : i32
      %scan3A_16 = arith.constant 32 : i32
      %scan3A_17 = arith.addi %scan3A_15, %scan3A_16 : i32
      %scan3A_18 = arith.constant 1 : i32
      %scan3A_19 = scf.for %scan3A_154 = %scan3A_15 to %scan3A_17 step %scan3A_18 iter_args(%scan3A_155 = %scan3A_14) -> (i32)  : i32 {
        %mul3A_156 = arith.constant 8 : i32
        %mul3A_157 = arith.muli %scan3A_154, %mul3A_156 : i32
        %add3A_158 = arith.constant 0 : i32
        %add3A_159 = arith.addi %mul3A_157, %add3A_158 : i32
        %mul3A_160 = arith.constant 16 : i32
        %mul3A_161 = arith.muli %add3A_159, %mul3A_160 : i32
        %swap3A = arith.index_cast %mul3A_161 : i32 to index
        %swap3A_162 = tpu.vector_load %arg6[%swap3A] {strides = array<i32>} : memref<4096xi32, #tpu.memory_space<vmem>>, vector<16xi32>,
        tpu.vector_store %arg6[%swap3A], %broadcast_in_dim3A_2 {strides = array<i32>} : memref<4096xi32, #tpu.memory_space<vmem>>, vector<16xi32>,
        %mul3A_163 = arith.constant 8 : i32
        %mul3A_164 = arith.muli %scan3A_154, %mul3A_163 : i32
        %add3A_165 = arith.constant 1 : i32
        %add3A_166 = arith.addi %mul3A_164, %add3A_165 : i32
        %mul3A_167 = arith.constant 16 : i32
        %mul3A_168 = arith.muli %add3A_166, %mul3A_167 : i32
        %swap3A_169 = arith.index_cast %mul3A_168 : i32 to index
        %swap3A_170 = tpu.vector_load %arg6[%swap3A_169] {strides = array<i32>} : memref<4096xi32, #tpu.memory_space<vmem>>, vector<16xi32>,
        tpu.vector_store %arg6[%swap3A_169], %broadcast_in_dim3A_2 {strides = array<i32>} : memref<4096xi32, #tpu.memory_space<vmem>>, vector<16xi32>,
        %mul3A_171 = arith.constant 8 : i32
        %mul3A_172 = arith.muli %scan3A_154, %mul3A_171 : i32
        %add3A_173 = arith.constant 2 : i32
        %add3A_174 = arith.addi %mul3A_172, %add3A_173 : i32
        %mul3A_175 = arith.constant 16 : i32
        %mul3A_176 = arith.muli %add3A_174, %mul3A_175 : i32
        %swap3A_177 = arith.index_cast %mul3A_176 : i32 to index
        %swap3A_178 = tpu.vector_load %arg6[%swap3A_177] {strides = array<i32>} : memref<4096xi32, #tpu.memory_space<vmem>>, vector<16xi32>,
        tpu.vector_store %arg6[%swap3A_177], %broadcast_in_dim3A_2 {strides = array<i32>} : memref<4096xi32, #tpu.memory_space<vmem>>, vector<16xi32>,
        %mul3A_179 = arith.constant 8 : i32
        %mul3A_180 = arith.muli %scan3A_154, %mul3A_179 : i32
        %add3A_181 = arith.constant 3 : i32
        %add3A_182 = arith.addi %mul3A_180, %add3A_181 : i32
        %mul3A_183 = arith.constant 16 : i32
        %mul3A_184 = arith.muli %add3A_182, %mul3A_183 : i32
        %swap3A_185 = arith.index_cast %mul3A_184 : i32 to index
        %swap3A_186 = tpu.vector_load %arg6[%swap3A_185] {strides = array<i32>} : memref<4096xi32, #tpu.memory_space<vmem>>, vector<16xi32>,
        tpu.vector_store %arg6[%swap3A_185], %broadcast_in_dim3A_2 {strides = array<i32>} : memref<4096xi32, #tpu.memory_space<vmem>>, vector<16xi32>,
        %mul3A_187 = arith.constant 8 : i32
        %mul3A_188 = arith.muli %scan3A_154, %mul3A_187 : i32
        %add3A_189 = arith.constant 4 : i32
        %add3A_190 = arith.addi %mul3A_188, %add3A_189 : i32
        %mul3A_191 = arith.constant 16 : i32
        %mul3A_192 = arith.muli %add3A_190, %mul3A_191 : i32
        %swap3A_193 = arith.index_cast %mul3A_192 : i32 to index
        %swap3A_194 = tpu.vector_load %arg6[%swap3A_193] {strides = array<i32>} : memref<4096xi32, #tpu.memory_space<vmem>>, vector<16xi32>,
        tpu.vector_store %arg6[%swap3A_193], %broadcast_in_dim3A_2 {strides = array<i32>} : memref<4096xi32, #tpu.memory_space<vmem>>, vector<16xi32>,
        %mul3A_195 = arith.constant 8 : i32
        %mul3A_196 = arith.muli %scan3A_154, %mul3A_195 : i32
        %add3A_197 = arith.constant 5 : i32
        %add3A_198 = arith.addi %mul3A_196, %add3A_197 : i32
        %mul3A_199 = arith.constant 16 : i32
        %mul3A_200 = arith.muli %add3A_198, %mul3A_199 : i32
        %swap3A_201 = arith.index_cast %mul3A_200 : i32 to index
        %swap3A_202 = tpu.vector_load %arg6[%swap3A_201] {strides = array<i32>} : memref<4096xi32, #tpu.memory_space<vmem>>, vector<16xi32>,
        tpu.vector_store %arg6[%swap3A_201], %broadcast_in_dim3A_2 {strides = array<i32>} : memref<4096xi32, #tpu.memory_space<vmem>>, vector<16xi32>,
        %mul3A_203 = arith.constant 8 : i32
        %mul3A_204 = arith.muli %scan3A_154, %mul3A_203 : i32
        %add3A_205 = arith.constant 6 : i32
        %add3A_206 = arith.addi %mul3A_204, %add3A_205 : i32
        %mul3A_207 = arith.constant 16 : i32
        %mul3A_208 = arith.muli %add3A_206, %mul3A_207 : i32
        %swap3A_209 = arith.index_cast %mul3A_208 : i32 to index
        %swap3A_210 = tpu.vector_load %arg6[%swap3A_209] {strides = array<i32>} : memref<4096xi32, #tpu.memory_space<vmem>>, vector<16xi32>,
        tpu.vector_store %arg6[%swap3A_209], %broadcast_in_dim3A_2 {strides = array<i32>} : memref<4096xi32, #tpu.memory_space<vmem>>, vector<16xi32>,
        %mul3A_211 = arith.constant 8 : i32
        %mul3A_212 = arith.muli %scan3A_154, %mul3A_211 : i32
        %add3A_213 = arith.constant 7 : i32
        %add3A_214 = arith.addi %mul3A_212, %add3A_213 : i32
        %mul3A_215 = arith.constant 16 : i32
        %mul3A_216 = arith.muli %add3A_214, %mul3A_215 : i32
        %swap3A_217 = arith.index_cast %mul3A_216 : i32 to index
        %swap3A_218 = tpu.vector_load %arg6[%swap3A_217] {strides = array<i32>} : memref<4096xi32, #tpu.memory_space<vmem>>, vector<16xi32>,
        tpu.vector_store %arg6[%swap3A_217], %broadcast_in_dim3A_2 {strides = array<i32>} : memref<4096xi32, #tpu.memory_space<vmem>>, vector<16xi32>,
        %scan3A_219 = arith.constant 0 : i32
        scf.yield %scan3A_219 : i32
      }
      %scan3A_20 = arith.constant 32 : i32
      %scan3A_21 = arith.constant 0 : i32
      %scan3A_22 = arith.constant 256 : i32
      %scan3A_23 = arith.addi %scan3A_21, %scan3A_22 : i32
      %scan3A_24 = arith.constant 1 : i32
      %scan3A_25 = scf.for %scan3A_154 = %scan3A_21 to %scan3A_23 step %scan3A_24 iter_args(%scan3A_155 = %broadcast_in_dim3A_2) -> (vector<16xi32>)  : i32 {
        %mul3A_156 = arith.constant 8 : i32
        %mul3A_157 = arith.muli %scan3A_154, %mul3A_156 : i32
        %add3A_158 = arith.constant 0 : i32
        %add3A_159 = arith.addi %mul3A_157, %add3A_158 : i32
        %mul3A_160 = arith.constant 16 : i32
        %mul3A_161 = arith.muli %add3A_159, %mul3A_160 : i32
        %get3A = arith.index_cast %mul3A_161 : i32 to index
        %get3A_162 = tpu.vector_load %arg4[%get3A] {strides = array<i32>} : memref<32768xf32, #tpu.memory_space<vmem>>, vector<16xf32>,
        %bitcast_convert_type3A = tpu.bitcast %get3A_162 : vector<16xf32> -> vector<16xi32>
        %shift_right_arithmetic3A = arith.constant 31 : i32
        %shift_right_arithmetic3A_163 = vector.broadcast %shift_right_arithmetic3A : i32 to vector<16xi32>
        %shift_right_arithmetic3A_164 = arith.shrsi %bitcast_convert_type3A, %shift_right_arithmetic3A_163 : vector<16xi32>
        %and3A_165 = arith.constant 2147483647 : i32
        %and3A_166 = vector.broadcast %and3A_165 : i32 to vector<16xi32>
        %and3A_167 = arith.andi %shift_right_arithmetic3A_164, %and3A_166 : vector<16xi32>
        %xor3A = arith.xori %bitcast_convert_type3A, %and3A_167 : vector<16xi32>
        %swap3A = arith.index_cast %mul3A_161 : i32 to index
        %swap3A_168 = tpu.vector_load %arg5[%swap3A] {strides = array<i32>} : memref<32768xi32, #tpu.memory_space<vmem>>, vector<16xi32>,
        tpu.vector_store %arg5[%swap3A], %xor3A {strides = array<i32>} : memref<32768xi32, #tpu.memory_space<vmem>>, vector<16xi32>,
        %shift_right_arithmetic3A_169 = arith.constant 24 : i32
        %shift_right_arithmetic3A_170 = vector.broadcast %shift_right_arithmetic3A_169 : i32 to vector<16xi32>
        %shift_right_arithmetic3A_171 = arith.shrsi %xor3A, %shift_right_arithmetic3A_170 : vector<16xi32>
        %add3A_172 = arith.constant 128 : i32
        %add3A_173 = vector.broadcast %add3A_172 : i32 to vector<16xi32>
        %add3A_174 = arith.addi %shift_right_arithmetic3A_171, %add3A_173 : vector<16xi32>
        %shift_left3A_175 = arith.constant 4 : i32
        %shift_left3A_176 = vector.broadcast %shift_left3A_175 : i32 to vector<16xi32>
        %shift_left3A_177 = arith.shli %add3A_174, %shift_left3A_176 : vector<16xi32>
        %or3A_178 = arith.ori %shift_left3A_177, %iota3A : vector<16xi32>
        tpu.vector_store_idx %arg6[%or3A_178], %broadcast_in_dim3A_0 {add = true} : memref<4096xi32, #tpu.memory_space<vmem>>[vector<16xi32>], vector<16xi32>,
        %max3A = arith.maxsi %scan3A_155, %add3A_174 : vector<16xi32>
        %mul3A_179 = arith.constant 8 : i32
        %mul3A_180 = arith.muli %scan3A_154, %mul3A_179 : i32
        %add3A_181 = arith.constant 1 : i32
        %add3A_182 = arith.addi %mul3A_180, %add3A_181 : i32
        %mul3A_183 = arith.constant 16 : i32
        %mul3A_184 = arith.muli %add3A_182, %mul3A_183 : i32
        %get3A_185 = arith.index_cast %mul3A_184 : i32 to index
        %get3A_186 = tpu.vector_load %arg4[%get3A_185] {strides = array<i32>} : memref<32768xf32, #tpu.memory_space<vmem>>, vector<16xf32>,
        %bitcast_convert_type3A_187 = tpu.bitcast %get3A_186 : vector<16xf32> -> vector<16xi32>
        %shift_right_arithmetic3A_188 = arith.constant 31 : i32
        %shift_right_arithmetic3A_189 = vector.broadcast %shift_right_arithmetic3A_188 : i32 to vector<16xi32>
        %shift_right_arithmetic3A_190 = arith.shrsi %bitcast_convert_type3A_187, %shift_right_arithmetic3A_189 : vector<16xi32>
        %and3A_191 = arith.constant 2147483647 : i32
        %and3A_192 = vector.broadcast %and3A_191 : i32 to vector<16xi32>
        %and3A_193 = arith.andi %shift_right_arithmetic3A_190, %and3A_192 : vector<16xi32>
        %xor3A_194 = arith.xori %bitcast_convert_type3A_187, %and3A_193 : vector<16xi32>
        %swap3A_195 = arith.index_cast %mul3A_184 : i32 to index
        %swap3A_196 = tpu.vector_load %arg5[%swap3A_195] {strides = array<i32>} : memref<32768xi32, #tpu.memory_space<vmem>>, vector<16xi32>,
        tpu.vector_store %arg5[%swap3A_195], %xor3A_194 {strides = array<i32>} : memref<32768xi32, #tpu.memory_space<vmem>>, vector<16xi32>,
        %shift_right_arithmetic3A_197 = arith.constant 24 : i32
        %shift_right_arithmetic3A_198 = vector.broadcast %shift_right_arithmetic3A_197 : i32 to vector<16xi32>
        %shift_right_arithmetic3A_199 = arith.shrsi %xor3A_194, %shift_right_arithmetic3A_198 : vector<16xi32>
        %add3A_200 = arith.constant 128 : i32
        %add3A_201 = vector.broadcast %add3A_200 : i32 to vector<16xi32>
        %add3A_202 = arith.addi %shift_right_arithmetic3A_199, %add3A_201 : vector<16xi32>
        %shift_left3A_203 = arith.constant 4 : i32
        %shift_left3A_204 = vector.broadcast %shift_left3A_203 : i32 to vector<16xi32>
        %shift_left3A_205 = arith.shli %add3A_202, %shift_left3A_204 : vector<16xi32>
        %or3A_206 = arith.ori %shift_left3A_205, %iota3A : vector<16xi32>
        tpu.vector_store_idx %arg6[%or3A_206], %broadcast_in_dim3A_0 {add = true} : memref<4096xi32, #tpu.memory_space<vmem>>[vector<16xi32>], vector<16xi32>,
        %max3A_207 = arith.maxsi %max3A, %add3A_202 : vector<16xi32>
        %mul3A_208 = arith.constant 8 : i32
        %mul3A_209 = arith.muli %scan3A_154, %mul3A_208 : i32
        %add3A_210 = arith.constant 2 : i32
        %add3A_211 = arith.addi %mul3A_209, %add3A_210 : i32
        %mul3A_212 = arith.constant 16 : i32
        %mul3A_213 = arith.muli %add3A_211, %mul3A_212 : i32
        %get3A_214 = arith.index_cast %mul3A_213 : i32 to index
        %get3A_215 = tpu.vector_load %arg4[%get3A_214] {strides = array<i32>} : memref<32768xf32, #tpu.memory_space<vmem>>, vector<16xf32>,
        %bitcast_convert_type3A_216 = tpu.bitcast %get3A_215 : vector<16xf32> -> vector<16xi32>
        %shift_right_arithmetic3A_217 = arith.constant 31 : i32
        %shift_right_arithmetic3A_218 = vector.broadcast %shift_right_arithmetic3A_217 : i32 to vector<16xi32>
        %shift_right_arithmetic3A_219 = arith.shrsi %bitcast_convert_type3A_216, %shift_right_arithmetic3A_218 : vector<16xi32>
        %and3A_220 = arith.constant 2147483647 : i32
        %and3A_221 = vector.broadcast %and3A_220 : i32 to vector<16xi32>
        %and3A_222 = arith.andi %shift_right_arithmetic3A_219, %and3A_221 : vector<16xi32>
        %xor3A_223 = arith.xori %bitcast_convert_type3A_216, %and3A_222 : vector<16xi32>
        %swap3A_224 = arith.index_cast %mul3A_213 : i32 to index
        %swap3A_225 = tpu.vector_load %arg5[%swap3A_224] {strides = array<i32>} : memref<32768xi32, #tpu.memory_space<vmem>>, vector<16xi32>,
        tpu.vector_store %arg5[%swap3A_224], %xor3A_223 {strides = array<i32>} : memref<32768xi32, #tpu.memory_space<vmem>>, vector<16xi32>,
        %shift_right_arithmetic3A_226 = arith.constant 24 : i32
        %shift_right_arithmetic3A_227 = vector.broadcast %shift_right_arithmetic3A_226 : i32 to vector<16xi32>
        %shift_right_arithmetic3A_228 = arith.shrsi %xor3A_223, %shift_right_arithmetic3A_227 : vector<16xi32>
        %add3A_229 = arith.constant 128 : i32
        %add3A_230 = vector.broadcast %add3A_229 : i32 to vector<16xi32>
        %add3A_231 = arith.addi %shift_right_arithmetic3A_228, %add3A_230 : vector<16xi32>
        %shift_left3A_232 = arith.constant 4 : i32
        %shift_left3A_233 = vector.broadcast %shift_left3A_232 : i32 to vector<16xi32>
        %shift_left3A_234 = arith.shli %add3A_231, %shift_left3A_233 : vector<16xi32>
        %or3A_235 = arith.ori %shift_left3A_234, %iota3A : vector<16xi32>
        tpu.vector_store_idx %arg6[%or3A_235], %broadcast_in_dim3A_0 {add = true} : memref<4096xi32, #tpu.memory_space<vmem>>[vector<16xi32>], vector<16xi32>,
        %max3A_236 = arith.maxsi %max3A_207, %add3A_231 : vector<16xi32>
        %mul3A_237 = arith.constant 8 : i32
        %mul3A_238 = arith.muli %scan3A_154, %mul3A_237 : i32
        %add3A_239 = arith.constant 3 : i32
        %add3A_240 = arith.addi %mul3A_238, %add3A_239 : i32
        %mul3A_241 = arith.constant 16 : i32
        %mul3A_242 = arith.muli %add3A_240, %mul3A_241 : i32
        %get3A_243 = arith.index_cast %mul3A_242 : i32 to index
        %get3A_244 = tpu.vector_load %arg4[%get3A_243] {strides = array<i32>} : memref<32768xf32, #tpu.memory_space<vmem>>, vector<16xf32>,
        %bitcast_convert_type3A_245 = tpu.bitcast %get3A_244 : vector<16xf32> -> vector<16xi32>
        %shift_right_arithmetic3A_246 = arith.constant 31 : i32
        %shift_right_arithmetic3A_247 = vector.broadcast %shift_right_arithmetic3A_246 : i32 to vector<16xi32>
        %shift_right_arithmetic3A_248 = arith.shrsi %bitcast_convert_type3A_245, %shift_right_arithmetic3A_247 : vector<16xi32>
        %and3A_249 = arith.constant 2147483647 : i32
        %and3A_250 = vector.broadcast %and3A_249 : i32 to vector<16xi32>
        %and3A_251 = arith.andi %shift_right_arithmetic3A_248, %and3A_250 : vector<16xi32>
        %xor3A_252 = arith.xori %bitcast_convert_type3A_245, %and3A_251 : vector<16xi32>
        %swap3A_253 = arith.index_cast %mul3A_242 : i32 to index
        %swap3A_254 = tpu.vector_load %arg5[%swap3A_253] {strides = array<i32>} : memref<32768xi32, #tpu.memory_space<vmem>>, vector<16xi32>,
        tpu.vector_store %arg5[%swap3A_253], %xor3A_252 {strides = array<i32>} : memref<32768xi32, #tpu.memory_space<vmem>>, vector<16xi32>,
        %shift_right_arithmetic3A_255 = arith.constant 24 : i32
        %shift_right_arithmetic3A_256 = vector.broadcast %shift_right_arithmetic3A_255 : i32 to vector<16xi32>
        %shift_right_arithmetic3A_257 = arith.shrsi %xor3A_252, %shift_right_arithmetic3A_256 : vector<16xi32>
        %add3A_258 = arith.constant 128 : i32
        %add3A_259 = vector.broadcast %add3A_258 : i32 to vector<16xi32>
        %add3A_260 = arith.addi %shift_right_arithmetic3A_257, %add3A_259 : vector<16xi32>
        %shift_left3A_261 = arith.constant 4 : i32
        %shift_left3A_262 = vector.broadcast %shift_left3A_261 : i32 to vector<16xi32>
        %shift_left3A_263 = arith.shli %add3A_260, %shift_left3A_262 : vector<16xi32>
        %or3A_264 = arith.ori %shift_left3A_263, %iota3A : vector<16xi32>
        tpu.vector_store_idx %arg6[%or3A_264], %broadcast_in_dim3A_0 {add = true} : memref<4096xi32, #tpu.memory_space<vmem>>[vector<16xi32>], vector<16xi32>,
        %max3A_265 = arith.maxsi %max3A_236, %add3A_260 : vector<16xi32>
        %mul3A_266 = arith.constant 8 : i32
        %mul3A_267 = arith.muli %scan3A_154, %mul3A_266 : i32
        %add3A_268 = arith.constant 4 : i32
        %add3A_269 = arith.addi %mul3A_267, %add3A_268 : i32
        %mul3A_270 = arith.constant 16 : i32
        %mul3A_271 = arith.muli %add3A_269, %mul3A_270 : i32
        %get3A_272 = arith.index_cast %mul3A_271 : i32 to index
        %get3A_273 = tpu.vector_load %arg4[%get3A_272] {strides = array<i32>} : memref<32768xf32, #tpu.memory_space<vmem>>, vector<16xf32>,
        %bitcast_convert_type3A_274 = tpu.bitcast %get3A_273 : vector<16xf32> -> vector<16xi32>
        %shift_right_arithmetic3A_275 = arith.constant 31 : i32
        %shift_right_arithmetic3A_276 = vector.broadcast %shift_right_arithmetic3A_275 : i32 to vector<16xi32>
        %shift_right_arithmetic3A_277 = arith.shrsi %bitcast_convert_type3A_274, %shift_right_arithmetic3A_276 : vector<16xi32>
        %and3A_278 = arith.constant 2147483647 : i32
        %and3A_279 = vector.broadcast %and3A_278 : i32 to vector<16xi32>
        %and3A_280 = arith.andi %shift_right_arithmetic3A_277, %and3A_279 : vector<16xi32>
        %xor3A_281 = arith.xori %bitcast_convert_type3A_274, %and3A_280 : vector<16xi32>
        %swap3A_282 = arith.index_cast %mul3A_271 : i32 to index
        %swap3A_283 = tpu.vector_load %arg5[%swap3A_282] {strides = array<i32>} : memref<32768xi32, #tpu.memory_space<vmem>>, vector<16xi32>,
        tpu.vector_store %arg5[%swap3A_282], %xor3A_281 {strides = array<i32>} : memref<32768xi32, #tpu.memory_space<vmem>>, vector<16xi32>,
        %shift_right_arithmetic3A_284 = arith.constant 24 : i32
        %shift_right_arithmetic3A_285 = vector.broadcast %shift_right_arithmetic3A_284 : i32 to vector<16xi32>
        %shift_right_arithmetic3A_286 = arith.shrsi %xor3A_281, %shift_right_arithmetic3A_285 : vector<16xi32>
        %add3A_287 = arith.constant 128 : i32
        %add3A_288 = vector.broadcast %add3A_287 : i32 to vector<16xi32>
        %add3A_289 = arith.addi %shift_right_arithmetic3A_286, %add3A_288 : vector<16xi32>
        %shift_left3A_290 = arith.constant 4 : i32
        %shift_left3A_291 = vector.broadcast %shift_left3A_290 : i32 to vector<16xi32>
        %shift_left3A_292 = arith.shli %add3A_289, %shift_left3A_291 : vector<16xi32>
        %or3A_293 = arith.ori %shift_left3A_292, %iota3A : vector<16xi32>
        tpu.vector_store_idx %arg6[%or3A_293], %broadcast_in_dim3A_0 {add = true} : memref<4096xi32, #tpu.memory_space<vmem>>[vector<16xi32>], vector<16xi32>,
        %max3A_294 = arith.maxsi %max3A_265, %add3A_289 : vector<16xi32>
        %mul3A_295 = arith.constant 8 : i32
        %mul3A_296 = arith.muli %scan3A_154, %mul3A_295 : i32
        %add3A_297 = arith.constant 5 : i32
        %add3A_298 = arith.addi %mul3A_296, %add3A_297 : i32
        %mul3A_299 = arith.constant 16 : i32
        %mul3A_300 = arith.muli %add3A_298, %mul3A_299 : i32
        %get3A_301 = arith.index_cast %mul3A_300 : i32 to index
        %get3A_302 = tpu.vector_load %arg4[%get3A_301] {strides = array<i32>} : memref<32768xf32, #tpu.memory_space<vmem>>, vector<16xf32>,
        %bitcast_convert_type3A_303 = tpu.bitcast %get3A_302 : vector<16xf32> -> vector<16xi32>
        %shift_right_arithmetic3A_304 = arith.constant 31 : i32
        %shift_right_arithmetic3A_305 = vector.broadcast %shift_right_arithmetic3A_304 : i32 to vector<16xi32>
        %shift_right_arithmetic3A_306 = arith.shrsi %bitcast_convert_type3A_303, %shift_right_arithmetic3A_305 : vector<16xi32>
        %and3A_307 = arith.constant 2147483647 : i32
        %and3A_308 = vector.broadcast %and3A_307 : i32 to vector<16xi32>
        %and3A_309 = arith.andi %shift_right_arithmetic3A_306, %and3A_308 : vector<16xi32>
        %xor3A_310 = arith.xori %bitcast_convert_type3A_303, %and3A_309 : vector<16xi32>
        %swap3A_311 = arith.index_cast %mul3A_300 : i32 to index
        %swap3A_312 = tpu.vector_load %arg5[%swap3A_311] {strides = array<i32>} : memref<32768xi32, #tpu.memory_space<vmem>>, vector<16xi32>,
        tpu.vector_store %arg5[%swap3A_311], %xor3A_310 {strides = array<i32>} : memref<32768xi32, #tpu.memory_space<vmem>>, vector<16xi32>,
        %shift_right_arithmetic3A_313 = arith.constant 24 : i32
        %shift_right_arithmetic3A_314 = vector.broadcast %shift_right_arithmetic3A_313 : i32 to vector<16xi32>
        %shift_right_arithmetic3A_315 = arith.shrsi %xor3A_310, %shift_right_arithmetic3A_314 : vector<16xi32>
        %add3A_316 = arith.constant 128 : i32
        %add3A_317 = vector.broadcast %add3A_316 : i32 to vector<16xi32>
        %add3A_318 = arith.addi %shift_right_arithmetic3A_315, %add3A_317 : vector<16xi32>
        %shift_left3A_319 = arith.constant 4 : i32
        %shift_left3A_320 = vector.broadcast %shift_left3A_319 : i32 to vector<16xi32>
        %shift_left3A_321 = arith.shli %add3A_318, %shift_left3A_320 : vector<16xi32>
        %or3A_322 = arith.ori %shift_left3A_321, %iota3A : vector<16xi32>
        tpu.vector_store_idx %arg6[%or3A_322], %broadcast_in_dim3A_0 {add = true} : memref<4096xi32, #tpu.memory_space<vmem>>[vector<16xi32>], vector<16xi32>,
        %max3A_323 = arith.maxsi %max3A_294, %add3A_318 : vector<16xi32>
        %mul3A_324 = arith.constant 8 : i32
        %mul3A_325 = arith.muli %scan3A_154, %mul3A_324 : i32
        %add3A_326 = arith.constant 6 : i32
        %add3A_327 = arith.addi %mul3A_325, %add3A_326 : i32
        %mul3A_328 = arith.constant 16 : i32
        %mul3A_329 = arith.muli %add3A_327, %mul3A_328 : i32
        %get3A_330 = arith.index_cast %mul3A_329 : i32 to index
        %get3A_331 = tpu.vector_load %arg4[%get3A_330] {strides = array<i32>} : memref<32768xf32, #tpu.memory_space<vmem>>, vector<16xf32>,
        %bitcast_convert_type3A_332 = tpu.bitcast %get3A_331 : vector<16xf32> -> vector<16xi32>
        %shift_right_arithmetic3A_333 = arith.constant 31 : i32
        %shift_right_arithmetic3A_334 = vector.broadcast %shift_right_arithmetic3A_333 : i32 to vector<16xi32>
        %shift_right_arithmetic3A_335 = arith.shrsi %bitcast_convert_type3A_332, %shift_right_arithmetic3A_334 : vector<16xi32>
        %and3A_336 = arith.constant 2147483647 : i32
        %and3A_337 = vector.broadcast %and3A_336 : i32 to vector<16xi32>
        %and3A_338 = arith.andi %shift_right_arithmetic3A_335, %and3A_337 : vector<16xi32>
        %xor3A_339 = arith.xori %bitcast_convert_type3A_332, %and3A_338 : vector<16xi32>
        %swap3A_340 = arith.index_cast %mul3A_329 : i32 to index
        %swap3A_341 = tpu.vector_load %arg5[%swap3A_340] {strides = array<i32>} : memref<32768xi32, #tpu.memory_space<vmem>>, vector<16xi32>,
        tpu.vector_store %arg5[%swap3A_340], %xor3A_339 {strides = array<i32>} : memref<32768xi32, #tpu.memory_space<vmem>>, vector<16xi32>,
        %shift_right_arithmetic3A_342 = arith.constant 24 : i32
        %shift_right_arithmetic3A_343 = vector.broadcast %shift_right_arithmetic3A_342 : i32 to vector<16xi32>
        %shift_right_arithmetic3A_344 = arith.shrsi %xor3A_339, %shift_right_arithmetic3A_343 : vector<16xi32>
        %add3A_345 = arith.constant 128 : i32
        %add3A_346 = vector.broadcast %add3A_345 : i32 to vector<16xi32>
        %add3A_347 = arith.addi %shift_right_arithmetic3A_344, %add3A_346 : vector<16xi32>
        %shift_left3A_348 = arith.constant 4 : i32
        %shift_left3A_349 = vector.broadcast %shift_left3A_348 : i32 to vector<16xi32>
        %shift_left3A_350 = arith.shli %add3A_347, %shift_left3A_349 : vector<16xi32>
        %or3A_351 = arith.ori %shift_left3A_350, %iota3A : vector<16xi32>
        tpu.vector_store_idx %arg6[%or3A_351], %broadcast_in_dim3A_0 {add = true} : memref<4096xi32, #tpu.memory_space<vmem>>[vector<16xi32>], vector<16xi32>,
        %max3A_352 = arith.maxsi %max3A_323, %add3A_347 : vector<16xi32>
        %mul3A_353 = arith.constant 8 : i32
        %mul3A_354 = arith.muli %scan3A_154, %mul3A_353 : i32
        %add3A_355 = arith.constant 7 : i32
        %add3A_356 = arith.addi %mul3A_354, %add3A_355 : i32
        %mul3A_357 = arith.constant 16 : i32
        %mul3A_358 = arith.muli %add3A_356, %mul3A_357 : i32
        %get3A_359 = arith.index_cast %mul3A_358 : i32 to index
        %get3A_360 = tpu.vector_load %arg4[%get3A_359] {strides = array<i32>} : memref<32768xf32, #tpu.memory_space<vmem>>, vector<16xf32>,
        %bitcast_convert_type3A_361 = tpu.bitcast %get3A_360 : vector<16xf32> -> vector<16xi32>
        %shift_right_arithmetic3A_362 = arith.constant 31 : i32
        %shift_right_arithmetic3A_363 = vector.broadcast %shift_right_arithmetic3A_362 : i32 to vector<16xi32>
        %shift_right_arithmetic3A_364 = arith.shrsi %bitcast_convert_type3A_361, %shift_right_arithmetic3A_363 : vector<16xi32>
        %and3A_365 = arith.constant 2147483647 : i32
        %and3A_366 = vector.broadcast %and3A_365 : i32 to vector<16xi32>
        %and3A_367 = arith.andi %shift_right_arithmetic3A_364, %and3A_366 : vector<16xi32>
        %xor3A_368 = arith.xori %bitcast_convert_type3A_361, %and3A_367 : vector<16xi32>
        %swap3A_369 = arith.index_cast %mul3A_358 : i32 to index
        %swap3A_370 = tpu.vector_load %arg5[%swap3A_369] {strides = array<i32>} : memref<32768xi32, #tpu.memory_space<vmem>>, vector<16xi32>,
        tpu.vector_store %arg5[%swap3A_369], %xor3A_368 {strides = array<i32>} : memref<32768xi32, #tpu.memory_space<vmem>>, vector<16xi32>,
        %shift_right_arithmetic3A_371 = arith.constant 24 : i32
        %shift_right_arithmetic3A_372 = vector.broadcast %shift_right_arithmetic3A_371 : i32 to vector<16xi32>
        %shift_right_arithmetic3A_373 = arith.shrsi %xor3A_368, %shift_right_arithmetic3A_372 : vector<16xi32>
        %add3A_374 = arith.constant 128 : i32
        %add3A_375 = vector.broadcast %add3A_374 : i32 to vector<16xi32>
        %add3A_376 = arith.addi %shift_right_arithmetic3A_373, %add3A_375 : vector<16xi32>
        %shift_left3A_377 = arith.constant 4 : i32
        %shift_left3A_378 = vector.broadcast %shift_left3A_377 : i32 to vector<16xi32>
        %shift_left3A_379 = arith.shli %add3A_376, %shift_left3A_378 : vector<16xi32>
        %or3A_380 = arith.ori %shift_left3A_379, %iota3A : vector<16xi32>
        tpu.vector_store_idx %arg6[%or3A_380], %broadcast_in_dim3A_0 {add = true} : memref<4096xi32, #tpu.memory_space<vmem>>[vector<16xi32>], vector<16xi32>,
        %max3A_381 = arith.maxsi %max3A_352, %add3A_376 : vector<16xi32>
        scf.yield %max3A_381 : vector<16xi32>
      }
      %scan3A_26 = arith.constant 256 : i32
      %reduce_max3A = arith.constant true
      %reduce_max3A_27 = vector.broadcast %reduce_max3A : i1 to vector<16xi1>
      %reduce_max3A_28 = arith.constant -2147483648 : i32
      %reduce_max3A_29 = vector.broadcast %reduce_max3A_28 : i32 to vector<16xi32>
      %reduce_max3A_30 = arith.xori %scan3A_25, %reduce_max3A_29 : vector<16xi32>
      %reduce_max3A_31 = tpu.scan <max>, %reduce_max3A_30 masked %reduce_max3A_27 : vector<16xi32>, vector<16xi1> -> vector<16xi32>
      %reduce_max3A_32 = arith.xori %reduce_max3A_31, %reduce_max3A_29 : vector<16xi32>
      %reduce_max3A_33 = vector.extract %reduce_max3A_32[15] : i32 from vector<16xi32>
      %while3A = arith.constant 128 : i32
      %while3A_34 = arith.constant 0 : i32
      %while3A_35 = arith.constant false
      %while3A_36:3 = scf.while (%while3A_154 = %reduce_max3A_33, %while3A_155 = %while3A_34, %while3A_156 = %while3A_35) : (i32, i32, i1) -> (i32, i32, i1) {
        %not3A = arith.constant true
        %not3A_157 = arith.xori %while3A_156, %not3A : i1
        scf.condition(%not3A_157) %while3A_154, %while3A_155, %while3A_156 : i32, i32, i1
      } do {
      ^bb0(%while3A_154: i32, %while3A_155: i32, %while3A_156: i1):
        %mul3A_157 = arith.constant 16 : i32
        %mul3A_158 = arith.muli %while3A_154, %mul3A_157 : i32
        %get3A = arith.index_cast %mul3A_158 : i32 to index
        %get3A_159 = tpu.vector_load %arg6[%get3A] {strides = array<i32>} : memref<4096xi32, #tpu.memory_space<vmem>>, vector<16xi32>,
        %reduce_sum3A = arith.constant true
        %reduce_sum3A_160 = vector.broadcast %reduce_sum3A : i1 to vector<16xi1>
        %reduce_sum3A_161 = tpu.scan <sum>, %get3A_159 masked %reduce_sum3A_160 : vector<16xi32>, vector<16xi1> -> vector<16xi32>
        %reduce_sum3A_162 = vector.extract %reduce_sum3A_161[15] : i32 from vector<16xi32>
        %add3A_163 = arith.addi %while3A_155, %reduce_sum3A_162 : i32
        %ge3A = arith.cmpi sge, %add3A_163, %while3A : i32
        %sub3A_164 = arith.constant 1 : i32
        %sub3A_165 = arith.subi %while3A_154, %sub3A_164 : i32
        %select_n3A_166 = arith.select %ge3A, %while3A_154, %sub3A_165 : i32
        %add3A_167 = arith.addi %while3A_155, %reduce_sum3A_162 : i32
        %select_n3A_168 = arith.select %ge3A, %while3A_155, %add3A_167 : i32
        scf.yield %select_n3A_166, %select_n3A_168, %ge3A : i32, i32, i1
      }
      %sub3A = arith.constant 128 : i32
      %sub3A_37 = arith.subi %sub3A, %while3A_36#1 : i32
      %sub3A_38 = arith.constant 128 : i32
      %sub3A_39 = arith.subi %while3A_36#0, %sub3A_38 : i32
      %scan3A_40 = arith.constant 0 : i32
      %scan3A_41 = arith.constant 0 : i32
      %scan3A_42 = arith.constant 32 : i32
      %scan3A_43 = arith.addi %scan3A_41, %scan3A_42 : i32
      %scan3A_44 = arith.constant 1 : i32
      %scan3A_45 = scf.for %scan3A_154 = %scan3A_41 to %scan3A_43 step %scan3A_44 iter_args(%scan3A_155 = %scan3A_40) -> (i32)  : i32 {
        %mul3A_156 = arith.constant 8 : i32
        %mul3A_157 = arith.muli %scan3A_154, %mul3A_156 : i32
        %add3A_158 = arith.constant 0 : i32
        %add3A_159 = arith.addi %mul3A_157, %add3A_158 : i32
        %mul3A_160 = arith.constant 16 : i32
        %mul3A_161 = arith.muli %add3A_159, %mul3A_160 : i32
        %swap3A = arith.index_cast %mul3A_161 : i32 to index
        %swap3A_162 = tpu.vector_load %arg6[%swap3A] {strides = array<i32>} : memref<4096xi32, #tpu.memory_space<vmem>>, vector<16xi32>,
        tpu.vector_store %arg6[%swap3A], %broadcast_in_dim3A_2 {strides = array<i32>} : memref<4096xi32, #tpu.memory_space<vmem>>, vector<16xi32>,
        %mul3A_163 = arith.constant 8 : i32
        %mul3A_164 = arith.muli %scan3A_154, %mul3A_163 : i32
        %add3A_165 = arith.constant 1 : i32
        %add3A_166 = arith.addi %mul3A_164, %add3A_165 : i32
        %mul3A_167 = arith.constant 16 : i32
        %mul3A_168 = arith.muli %add3A_166, %mul3A_167 : i32
        %swap3A_169 = arith.index_cast %mul3A_168 : i32 to index
        %swap3A_170 = tpu.vector_load %arg6[%swap3A_169] {strides = array<i32>} : memref<4096xi32, #tpu.memory_space<vmem>>, vector<16xi32>,
        tpu.vector_store %arg6[%swap3A_169], %broadcast_in_dim3A_2 {strides = array<i32>} : memref<4096xi32, #tpu.memory_space<vmem>>, vector<16xi32>,
        %mul3A_171 = arith.constant 8 : i32
        %mul3A_172 = arith.muli %scan3A_154, %mul3A_171 : i32
        %add3A_173 = arith.constant 2 : i32
        %add3A_174 = arith.addi %mul3A_172, %add3A_173 : i32
        %mul3A_175 = arith.constant 16 : i32
        %mul3A_176 = arith.muli %add3A_174, %mul3A_175 : i32
        %swap3A_177 = arith.index_cast %mul3A_176 : i32 to index
        %swap3A_178 = tpu.vector_load %arg6[%swap3A_177] {strides = array<i32>} : memref<4096xi32, #tpu.memory_space<vmem>>, vector<16xi32>,
        tpu.vector_store %arg6[%swap3A_177], %broadcast_in_dim3A_2 {strides = array<i32>} : memref<4096xi32, #tpu.memory_space<vmem>>, vector<16xi32>,
        %mul3A_179 = arith.constant 8 : i32
        %mul3A_180 = arith.muli %scan3A_154, %mul3A_179 : i32
        %add3A_181 = arith.constant 3 : i32
        %add3A_182 = arith.addi %mul3A_180, %add3A_181 : i32
        %mul3A_183 = arith.constant 16 : i32
        %mul3A_184 = arith.muli %add3A_182, %mul3A_183 : i32
        %swap3A_185 = arith.index_cast %mul3A_184 : i32 to index
        %swap3A_186 = tpu.vector_load %arg6[%swap3A_185] {strides = array<i32>} : memref<4096xi32, #tpu.memory_space<vmem>>, vector<16xi32>,
        tpu.vector_store %arg6[%swap3A_185], %broadcast_in_dim3A_2 {strides = array<i32>} : memref<4096xi32, #tpu.memory_space<vmem>>, vector<16xi32>,
        %mul3A_187 = arith.constant 8 : i32
        %mul3A_188 = arith.muli %scan3A_154, %mul3A_187 : i32
        %add3A_189 = arith.constant 4 : i32
        %add3A_190 = arith.addi %mul3A_188, %add3A_189 : i32
        %mul3A_191 = arith.constant 16 : i32
        %mul3A_192 = arith.muli %add3A_190, %mul3A_191 : i32
        %swap3A_193 = arith.index_cast %mul3A_192 : i32 to index
        %swap3A_194 = tpu.vector_load %arg6[%swap3A_193] {strides = array<i32>} : memref<4096xi32, #tpu.memory_space<vmem>>, vector<16xi32>,
        tpu.vector_store %arg6[%swap3A_193], %broadcast_in_dim3A_2 {strides = array<i32>} : memref<4096xi32, #tpu.memory_space<vmem>>, vector<16xi32>,
        %mul3A_195 = arith.constant 8 : i32
        %mul3A_196 = arith.muli %scan3A_154, %mul3A_195 : i32
        %add3A_197 = arith.constant 5 : i32
        %add3A_198 = arith.addi %mul3A_196, %add3A_197 : i32
        %mul3A_199 = arith.constant 16 : i32
        %mul3A_200 = arith.muli %add3A_198, %mul3A_199 : i32
        %swap3A_201 = arith.index_cast %mul3A_200 : i32 to index
        %swap3A_202 = tpu.vector_load %arg6[%swap3A_201] {strides = array<i32>} : memref<4096xi32, #tpu.memory_space<vmem>>, vector<16xi32>,
        tpu.vector_store %arg6[%swap3A_201], %broadcast_in_dim3A_2 {strides = array<i32>} : memref<4096xi32, #tpu.memory_space<vmem>>, vector<16xi32>,
        %mul3A_203 = arith.constant 8 : i32
        %mul3A_204 = arith.muli %scan3A_154, %mul3A_203 : i32
        %add3A_205 = arith.constant 6 : i32
        %add3A_206 = arith.addi %mul3A_204, %add3A_205 : i32
        %mul3A_207 = arith.constant 16 : i32
        %mul3A_208 = arith.muli %add3A_206, %mul3A_207 : i32
        %swap3A_209 = arith.index_cast %mul3A_208 : i32 to index
        %swap3A_210 = tpu.vector_load %arg6[%swap3A_209] {strides = array<i32>} : memref<4096xi32, #tpu.memory_space<vmem>>, vector<16xi32>,
        tpu.vector_store %arg6[%swap3A_209], %broadcast_in_dim3A_2 {strides = array<i32>} : memref<4096xi32, #tpu.memory_space<vmem>>, vector<16xi32>,
        %mul3A_211 = arith.constant 8 : i32
        %mul3A_212 = arith.muli %scan3A_154, %mul3A_211 : i32
        %add3A_213 = arith.constant 7 : i32
        %add3A_214 = arith.addi %mul3A_212, %add3A_213 : i32
        %mul3A_215 = arith.constant 16 : i32
        %mul3A_216 = arith.muli %add3A_214, %mul3A_215 : i32
        %swap3A_217 = arith.index_cast %mul3A_216 : i32 to index
        %swap3A_218 = tpu.vector_load %arg6[%swap3A_217] {strides = array<i32>} : memref<4096xi32, #tpu.memory_space<vmem>>, vector<16xi32>,
        tpu.vector_store %arg6[%swap3A_217], %broadcast_in_dim3A_2 {strides = array<i32>} : memref<4096xi32, #tpu.memory_space<vmem>>, vector<16xi32>,
        %scan3A_219 = arith.constant 0 : i32
        scf.yield %scan3A_219 : i32
      }
      %scan3A_46 = arith.constant 32 : i32
      %scan3A_47 = arith.constant 0 : i32
      %scan3A_48 = arith.constant 256 : i32
      %scan3A_49 = arith.addi %scan3A_47, %scan3A_48 : i32
      %scan3A_50 = arith.constant 1 : i32
      %scan3A_51 = scf.for %scan3A_154 = %scan3A_47 to %scan3A_49 step %scan3A_50 iter_args(%scan3A_155 = %broadcast_in_dim3A_2) -> (vector<16xi32>)  : i32 {
        %mul3A_156 = arith.constant 8 : i32
        %mul3A_157 = arith.muli %scan3A_154, %mul3A_156 : i32
        %add3A_158 = arith.constant 0 : i32
        %add3A_159 = arith.addi %mul3A_157, %add3A_158 : i32
        %mul3A_160 = arith.constant 16 : i32
        %mul3A_161 = arith.muli %add3A_159, %mul3A_160 : i32
        %get3A = arith.index_cast %mul3A_161 : i32 to index
        %get3A_162 = tpu.vector_load %arg5[%get3A] {strides = array<i32>} : memref<32768xi32, #tpu.memory_space<vmem>>, vector<16xi32>,
        %shift_right_arithmetic3A = arith.constant 24 : i32
        %shift_right_arithmetic3A_163 = vector.broadcast %shift_right_arithmetic3A : i32 to vector<16xi32>
        %shift_right_arithmetic3A_164 = arith.shrsi %get3A_162, %shift_right_arithmetic3A_163 : vector<16xi32>
        %eq3A_165 = vector.broadcast %sub3A_39 : i32 to vector<16xi32>
        %eq3A_166 = arith.cmpi eq, %shift_right_arithmetic3A_164, %eq3A_165 : vector<16xi32>
        %shift_right_arithmetic3A_167 = arith.constant 16 : i32
        %shift_right_arithmetic3A_168 = vector.broadcast %shift_right_arithmetic3A_167 : i32 to vector<16xi32>
        %shift_right_arithmetic3A_169 = arith.shrsi %get3A_162, %shift_right_arithmetic3A_168 : vector<16xi32>
        %and3A_170 = arith.constant 255 : i32
        %and3A_171 = vector.broadcast %and3A_170 : i32 to vector<16xi32>
        %and3A_172 = arith.andi %shift_right_arithmetic3A_169, %and3A_171 : vector<16xi32>
        %shift_left3A_173 = arith.constant 4 : i32
        %shift_left3A_174 = vector.broadcast %shift_left3A_173 : i32 to vector<16xi32>
        %shift_left3A_175 = arith.shli %and3A_172, %shift_left3A_174 : vector<16xi32>
        %or3A_176 = arith.ori %shift_left3A_175, %iota3A : vector<16xi32>
        tpu.vector_store_idx %arg6[%or3A_176], %broadcast_in_dim3A_0 masked %eq3A_166 {add = true} : memref<4096xi32, #tpu.memory_space<vmem>>[vector<16xi32>], vector<16xi32>, vector<16xi1>
        %jit3A_177 = arith.constant 0 : i32
        %broadcast_in_dim3A_178 = vector.broadcast %jit3A_177 : i32 to vector<16xi32>
        %select_n3A_179 = arith.select %eq3A_166, %and3A_172, %broadcast_in_dim3A_178 : vector<16xi1>, vector<16xi32>
        %max3A = arith.maxsi %scan3A_155, %select_n3A_179 : vector<16xi32>
        %mul3A_180 = arith.constant 8 : i32
        %mul3A_181 = arith.muli %scan3A_154, %mul3A_180 : i32
        %add3A_182 = arith.constant 1 : i32
        %add3A_183 = arith.addi %mul3A_181, %add3A_182 : i32
        %mul3A_184 = arith.constant 16 : i32
        %mul3A_185 = arith.muli %add3A_183, %mul3A_184 : i32
        %get3A_186 = arith.index_cast %mul3A_185 : i32 to index
        %get3A_187 = tpu.vector_load %arg5[%get3A_186] {strides = array<i32>} : memref<32768xi32, #tpu.memory_space<vmem>>, vector<16xi32>,
        %shift_right_arithmetic3A_188 = arith.constant 24 : i32
        %shift_right_arithmetic3A_189 = vector.broadcast %shift_right_arithmetic3A_188 : i32 to vector<16xi32>
        %shift_right_arithmetic3A_190 = arith.shrsi %get3A_187, %shift_right_arithmetic3A_189 : vector<16xi32>
        %eq3A_191 = vector.broadcast %sub3A_39 : i32 to vector<16xi32>
        %eq3A_192 = arith.cmpi eq, %shift_right_arithmetic3A_190, %eq3A_191 : vector<16xi32>
        %shift_right_arithmetic3A_193 = arith.constant 16 : i32
        %shift_right_arithmetic3A_194 = vector.broadcast %shift_right_arithmetic3A_193 : i32 to vector<16xi32>
        %shift_right_arithmetic3A_195 = arith.shrsi %get3A_187, %shift_right_arithmetic3A_194 : vector<16xi32>
        %and3A_196 = arith.constant 255 : i32
        %and3A_197 = vector.broadcast %and3A_196 : i32 to vector<16xi32>
        %and3A_198 = arith.andi %shift_right_arithmetic3A_195, %and3A_197 : vector<16xi32>
        %shift_left3A_199 = arith.constant 4 : i32
        %shift_left3A_200 = vector.broadcast %shift_left3A_199 : i32 to vector<16xi32>
        %shift_left3A_201 = arith.shli %and3A_198, %shift_left3A_200 : vector<16xi32>
        %or3A_202 = arith.ori %shift_left3A_201, %iota3A : vector<16xi32>
        tpu.vector_store_idx %arg6[%or3A_202], %broadcast_in_dim3A_0 masked %eq3A_192 {add = true} : memref<4096xi32, #tpu.memory_space<vmem>>[vector<16xi32>], vector<16xi32>, vector<16xi1>
        %jit3A_203 = arith.constant 0 : i32
        %broadcast_in_dim3A_204 = vector.broadcast %jit3A_203 : i32 to vector<16xi32>
        %select_n3A_205 = arith.select %eq3A_192, %and3A_198, %broadcast_in_dim3A_204 : vector<16xi1>, vector<16xi32>
        %max3A_206 = arith.maxsi %max3A, %select_n3A_205 : vector<16xi32>
        %mul3A_207 = arith.constant 8 : i32
        %mul3A_208 = arith.muli %scan3A_154, %mul3A_207 : i32
        %add3A_209 = arith.constant 2 : i32
        %add3A_210 = arith.addi %mul3A_208, %add3A_209 : i32
        %mul3A_211 = arith.constant 16 : i32
        %mul3A_212 = arith.muli %add3A_210, %mul3A_211 : i32
        %get3A_213 = arith.index_cast %mul3A_212 : i32 to index
        %get3A_214 = tpu.vector_load %arg5[%get3A_213] {strides = array<i32>} : memref<32768xi32, #tpu.memory_space<vmem>>, vector<16xi32>,
        %shift_right_arithmetic3A_215 = arith.constant 24 : i32
        %shift_right_arithmetic3A_216 = vector.broadcast %shift_right_arithmetic3A_215 : i32 to vector<16xi32>
        %shift_right_arithmetic3A_217 = arith.shrsi %get3A_214, %shift_right_arithmetic3A_216 : vector<16xi32>
        %eq3A_218 = vector.broadcast %sub3A_39 : i32 to vector<16xi32>
        %eq3A_219 = arith.cmpi eq, %shift_right_arithmetic3A_217, %eq3A_218 : vector<16xi32>
        %shift_right_arithmetic3A_220 = arith.constant 16 : i32
        %shift_right_arithmetic3A_221 = vector.broadcast %shift_right_arithmetic3A_220 : i32 to vector<16xi32>
        %shift_right_arithmetic3A_222 = arith.shrsi %get3A_214, %shift_right_arithmetic3A_221 : vector<16xi32>
        %and3A_223 = arith.constant 255 : i32
        %and3A_224 = vector.broadcast %and3A_223 : i32 to vector<16xi32>
        %and3A_225 = arith.andi %shift_right_arithmetic3A_222, %and3A_224 : vector<16xi32>
        %shift_left3A_226 = arith.constant 4 : i32
        %shift_left3A_227 = vector.broadcast %shift_left3A_226 : i32 to vector<16xi32>
        %shift_left3A_228 = arith.shli %and3A_225, %shift_left3A_227 : vector<16xi32>
        %or3A_229 = arith.ori %shift_left3A_228, %iota3A : vector<16xi32>
        tpu.vector_store_idx %arg6[%or3A_229], %broadcast_in_dim3A_0 masked %eq3A_219 {add = true} : memref<4096xi32, #tpu.memory_space<vmem>>[vector<16xi32>], vector<16xi32>, vector<16xi1>
        %jit3A_230 = arith.constant 0 : i32
        %broadcast_in_dim3A_231 = vector.broadcast %jit3A_230 : i32 to vector<16xi32>
        %select_n3A_232 = arith.select %eq3A_219, %and3A_225, %broadcast_in_dim3A_231 : vector<16xi1>, vector<16xi32>
        %max3A_233 = arith.maxsi %max3A_206, %select_n3A_232 : vector<16xi32>
        %mul3A_234 = arith.constant 8 : i32
        %mul3A_235 = arith.muli %scan3A_154, %mul3A_234 : i32
        %add3A_236 = arith.constant 3 : i32
        %add3A_237 = arith.addi %mul3A_235, %add3A_236 : i32
        %mul3A_238 = arith.constant 16 : i32
        %mul3A_239 = arith.muli %add3A_237, %mul3A_238 : i32
        %get3A_240 = arith.index_cast %mul3A_239 : i32 to index
        %get3A_241 = tpu.vector_load %arg5[%get3A_240] {strides = array<i32>} : memref<32768xi32, #tpu.memory_space<vmem>>, vector<16xi32>,
        %shift_right_arithmetic3A_242 = arith.constant 24 : i32
        %shift_right_arithmetic3A_243 = vector.broadcast %shift_right_arithmetic3A_242 : i32 to vector<16xi32>
        %shift_right_arithmetic3A_244 = arith.shrsi %get3A_241, %shift_right_arithmetic3A_243 : vector<16xi32>
        %eq3A_245 = vector.broadcast %sub3A_39 : i32 to vector<16xi32>
        %eq3A_246 = arith.cmpi eq, %shift_right_arithmetic3A_244, %eq3A_245 : vector<16xi32>
        %shift_right_arithmetic3A_247 = arith.constant 16 : i32
        %shift_right_arithmetic3A_248 = vector.broadcast %shift_right_arithmetic3A_247 : i32 to vector<16xi32>
        %shift_right_arithmetic3A_249 = arith.shrsi %get3A_241, %shift_right_arithmetic3A_248 : vector<16xi32>
        %and3A_250 = arith.constant 255 : i32
        %and3A_251 = vector.broadcast %and3A_250 : i32 to vector<16xi32>
        %and3A_252 = arith.andi %shift_right_arithmetic3A_249, %and3A_251 : vector<16xi32>
        %shift_left3A_253 = arith.constant 4 : i32
        %shift_left3A_254 = vector.broadcast %shift_left3A_253 : i32 to vector<16xi32>
        %shift_left3A_255 = arith.shli %and3A_252, %shift_left3A_254 : vector<16xi32>
        %or3A_256 = arith.ori %shift_left3A_255, %iota3A : vector<16xi32>
        tpu.vector_store_idx %arg6[%or3A_256], %broadcast_in_dim3A_0 masked %eq3A_246 {add = true} : memref<4096xi32, #tpu.memory_space<vmem>>[vector<16xi32>], vector<16xi32>, vector<16xi1>
        %jit3A_257 = arith.constant 0 : i32
        %broadcast_in_dim3A_258 = vector.broadcast %jit3A_257 : i32 to vector<16xi32>
        %select_n3A_259 = arith.select %eq3A_246, %and3A_252, %broadcast_in_dim3A_258 : vector<16xi1>, vector<16xi32>
        %max3A_260 = arith.maxsi %max3A_233, %select_n3A_259 : vector<16xi32>
        %mul3A_261 = arith.constant 8 : i32
        %mul3A_262 = arith.muli %scan3A_154, %mul3A_261 : i32
        %add3A_263 = arith.constant 4 : i32
        %add3A_264 = arith.addi %mul3A_262, %add3A_263 : i32
        %mul3A_265 = arith.constant 16 : i32
        %mul3A_266 = arith.muli %add3A_264, %mul3A_265 : i32
        %get3A_267 = arith.index_cast %mul3A_266 : i32 to index
        %get3A_268 = tpu.vector_load %arg5[%get3A_267] {strides = array<i32>} : memref<32768xi32, #tpu.memory_space<vmem>>, vector<16xi32>,
        %shift_right_arithmetic3A_269 = arith.constant 24 : i32
        %shift_right_arithmetic3A_270 = vector.broadcast %shift_right_arithmetic3A_269 : i32 to vector<16xi32>
        %shift_right_arithmetic3A_271 = arith.shrsi %get3A_268, %shift_right_arithmetic3A_270 : vector<16xi32>
        %eq3A_272 = vector.broadcast %sub3A_39 : i32 to vector<16xi32>
        %eq3A_273 = arith.cmpi eq, %shift_right_arithmetic3A_271, %eq3A_272 : vector<16xi32>
        %shift_right_arithmetic3A_274 = arith.constant 16 : i32
        %shift_right_arithmetic3A_275 = vector.broadcast %shift_right_arithmetic3A_274 : i32 to vector<16xi32>
        %shift_right_arithmetic3A_276 = arith.shrsi %get3A_268, %shift_right_arithmetic3A_275 : vector<16xi32>
        %and3A_277 = arith.constant 255 : i32
        %and3A_278 = vector.broadcast %and3A_277 : i32 to vector<16xi32>
        %and3A_279 = arith.andi %shift_right_arithmetic3A_276, %and3A_278 : vector<16xi32>
        %shift_left3A_280 = arith.constant 4 : i32
        %shift_left3A_281 = vector.broadcast %shift_left3A_280 : i32 to vector<16xi32>
        %shift_left3A_282 = arith.shli %and3A_279, %shift_left3A_281 : vector<16xi32>
        %or3A_283 = arith.ori %shift_left3A_282, %iota3A : vector<16xi32>
        tpu.vector_store_idx %arg6[%or3A_283], %broadcast_in_dim3A_0 masked %eq3A_273 {add = true} : memref<4096xi32, #tpu.memory_space<vmem>>[vector<16xi32>], vector<16xi32>, vector<16xi1>
        %jit3A_284 = arith.constant 0 : i32
        %broadcast_in_dim3A_285 = vector.broadcast %jit3A_284 : i32 to vector<16xi32>
        %select_n3A_286 = arith.select %eq3A_273, %and3A_279, %broadcast_in_dim3A_285 : vector<16xi1>, vector<16xi32>
        %max3A_287 = arith.maxsi %max3A_260, %select_n3A_286 : vector<16xi32>
        %mul3A_288 = arith.constant 8 : i32
        %mul3A_289 = arith.muli %scan3A_154, %mul3A_288 : i32
        %add3A_290 = arith.constant 5 : i32
        %add3A_291 = arith.addi %mul3A_289, %add3A_290 : i32
        %mul3A_292 = arith.constant 16 : i32
        %mul3A_293 = arith.muli %add3A_291, %mul3A_292 : i32
        %get3A_294 = arith.index_cast %mul3A_293 : i32 to index
        %get3A_295 = tpu.vector_load %arg5[%get3A_294] {strides = array<i32>} : memref<32768xi32, #tpu.memory_space<vmem>>, vector<16xi32>,
        %shift_right_arithmetic3A_296 = arith.constant 24 : i32
        %shift_right_arithmetic3A_297 = vector.broadcast %shift_right_arithmetic3A_296 : i32 to vector<16xi32>
        %shift_right_arithmetic3A_298 = arith.shrsi %get3A_295, %shift_right_arithmetic3A_297 : vector<16xi32>
        %eq3A_299 = vector.broadcast %sub3A_39 : i32 to vector<16xi32>
        %eq3A_300 = arith.cmpi eq, %shift_right_arithmetic3A_298, %eq3A_299 : vector<16xi32>
        %shift_right_arithmetic3A_301 = arith.constant 16 : i32
        %shift_right_arithmetic3A_302 = vector.broadcast %shift_right_arithmetic3A_301 : i32 to vector<16xi32>
        %shift_right_arithmetic3A_303 = arith.shrsi %get3A_295, %shift_right_arithmetic3A_302 : vector<16xi32>
        %and3A_304 = arith.constant 255 : i32
        %and3A_305 = vector.broadcast %and3A_304 : i32 to vector<16xi32>
        %and3A_306 = arith.andi %shift_right_arithmetic3A_303, %and3A_305 : vector<16xi32>
        %shift_left3A_307 = arith.constant 4 : i32
        %shift_left3A_308 = vector.broadcast %shift_left3A_307 : i32 to vector<16xi32>
        %shift_left3A_309 = arith.shli %and3A_306, %shift_left3A_308 : vector<16xi32>
        %or3A_310 = arith.ori %shift_left3A_309, %iota3A : vector<16xi32>
        tpu.vector_store_idx %arg6[%or3A_310], %broadcast_in_dim3A_0 masked %eq3A_300 {add = true} : memref<4096xi32, #tpu.memory_space<vmem>>[vector<16xi32>], vector<16xi32>, vector<16xi1>
        %jit3A_311 = arith.constant 0 : i32
        %broadcast_in_dim3A_312 = vector.broadcast %jit3A_311 : i32 to vector<16xi32>
        %select_n3A_313 = arith.select %eq3A_300, %and3A_306, %broadcast_in_dim3A_312 : vector<16xi1>, vector<16xi32>
        %max3A_314 = arith.maxsi %max3A_287, %select_n3A_313 : vector<16xi32>
        %mul3A_315 = arith.constant 8 : i32
        %mul3A_316 = arith.muli %scan3A_154, %mul3A_315 : i32
        %add3A_317 = arith.constant 6 : i32
        %add3A_318 = arith.addi %mul3A_316, %add3A_317 : i32
        %mul3A_319 = arith.constant 16 : i32
        %mul3A_320 = arith.muli %add3A_318, %mul3A_319 : i32
        %get3A_321 = arith.index_cast %mul3A_320 : i32 to index
        %get3A_322 = tpu.vector_load %arg5[%get3A_321] {strides = array<i32>} : memref<32768xi32, #tpu.memory_space<vmem>>, vector<16xi32>,
        %shift_right_arithmetic3A_323 = arith.constant 24 : i32
        %shift_right_arithmetic3A_324 = vector.broadcast %shift_right_arithmetic3A_323 : i32 to vector<16xi32>
        %shift_right_arithmetic3A_325 = arith.shrsi %get3A_322, %shift_right_arithmetic3A_324 : vector<16xi32>
        %eq3A_326 = vector.broadcast %sub3A_39 : i32 to vector<16xi32>
        %eq3A_327 = arith.cmpi eq, %shift_right_arithmetic3A_325, %eq3A_326 : vector<16xi32>
        %shift_right_arithmetic3A_328 = arith.constant 16 : i32
        %shift_right_arithmetic3A_329 = vector.broadcast %shift_right_arithmetic3A_328 : i32 to vector<16xi32>
        %shift_right_arithmetic3A_330 = arith.shrsi %get3A_322, %shift_right_arithmetic3A_329 : vector<16xi32>
        %and3A_331 = arith.constant 255 : i32
        %and3A_332 = vector.broadcast %and3A_331 : i32 to vector<16xi32>
        %and3A_333 = arith.andi %shift_right_arithmetic3A_330, %and3A_332 : vector<16xi32>
        %shift_left3A_334 = arith.constant 4 : i32
        %shift_left3A_335 = vector.broadcast %shift_left3A_334 : i32 to vector<16xi32>
        %shift_left3A_336 = arith.shli %and3A_333, %shift_left3A_335 : vector<16xi32>
        %or3A_337 = arith.ori %shift_left3A_336, %iota3A : vector<16xi32>
        tpu.vector_store_idx %arg6[%or3A_337], %broadcast_in_dim3A_0 masked %eq3A_327 {add = true} : memref<4096xi32, #tpu.memory_space<vmem>>[vector<16xi32>], vector<16xi32>, vector<16xi1>
        %jit3A_338 = arith.constant 0 : i32
        %broadcast_in_dim3A_339 = vector.broadcast %jit3A_338 : i32 to vector<16xi32>
        %select_n3A_340 = arith.select %eq3A_327, %and3A_333, %broadcast_in_dim3A_339 : vector<16xi1>, vector<16xi32>
        %max3A_341 = arith.maxsi %max3A_314, %select_n3A_340 : vector<16xi32>
        %mul3A_342 = arith.constant 8 : i32
        %mul3A_343 = arith.muli %scan3A_154, %mul3A_342 : i32
        %add3A_344 = arith.constant 7 : i32
        %add3A_345 = arith.addi %mul3A_343, %add3A_344 : i32
        %mul3A_346 = arith.constant 16 : i32
        %mul3A_347 = arith.muli %add3A_345, %mul3A_346 : i32
        %get3A_348 = arith.index_cast %mul3A_347 : i32 to index
        %get3A_349 = tpu.vector_load %arg5[%get3A_348] {strides = array<i32>} : memref<32768xi32, #tpu.memory_space<vmem>>, vector<16xi32>,
        %shift_right_arithmetic3A_350 = arith.constant 24 : i32
        %shift_right_arithmetic3A_351 = vector.broadcast %shift_right_arithmetic3A_350 : i32 to vector<16xi32>
        %shift_right_arithmetic3A_352 = arith.shrsi %get3A_349, %shift_right_arithmetic3A_351 : vector<16xi32>
        %eq3A_353 = vector.broadcast %sub3A_39 : i32 to vector<16xi32>
        %eq3A_354 = arith.cmpi eq, %shift_right_arithmetic3A_352, %eq3A_353 : vector<16xi32>
        %shift_right_arithmetic3A_355 = arith.constant 16 : i32
        %shift_right_arithmetic3A_356 = vector.broadcast %shift_right_arithmetic3A_355 : i32 to vector<16xi32>
        %shift_right_arithmetic3A_357 = arith.shrsi %get3A_349, %shift_right_arithmetic3A_356 : vector<16xi32>
        %and3A_358 = arith.constant 255 : i32
        %and3A_359 = vector.broadcast %and3A_358 : i32 to vector<16xi32>
        %and3A_360 = arith.andi %shift_right_arithmetic3A_357, %and3A_359 : vector<16xi32>
        %shift_left3A_361 = arith.constant 4 : i32
        %shift_left3A_362 = vector.broadcast %shift_left3A_361 : i32 to vector<16xi32>
        %shift_left3A_363 = arith.shli %and3A_360, %shift_left3A_362 : vector<16xi32>
        %or3A_364 = arith.ori %shift_left3A_363, %iota3A : vector<16xi32>
        tpu.vector_store_idx %arg6[%or3A_364], %broadcast_in_dim3A_0 masked %eq3A_354 {add = true} : memref<4096xi32, #tpu.memory_space<vmem>>[vector<16xi32>], vector<16xi32>, vector<16xi1>
        %jit3A_365 = arith.constant 0 : i32
        %broadcast_in_dim3A_366 = vector.broadcast %jit3A_365 : i32 to vector<16xi32>
        %select_n3A_367 = arith.select %eq3A_354, %and3A_360, %broadcast_in_dim3A_366 : vector<16xi1>, vector<16xi32>
        %max3A_368 = arith.maxsi %max3A_341, %select_n3A_367 : vector<16xi32>
        scf.yield %max3A_368 : vector<16xi32>
      }
      %scan3A_52 = arith.constant 256 : i32
      %reduce_max3A_53 = arith.constant true
      %reduce_max3A_54 = vector.broadcast %reduce_max3A_53 : i1 to vector<16xi1>
      %reduce_max3A_55 = arith.constant -2147483648 : i32
      %reduce_max3A_56 = vector.broadcast %reduce_max3A_55 : i32 to vector<16xi32>
      %reduce_max3A_57 = arith.xori %scan3A_51, %reduce_max3A_56 : vector<16xi32>
      %reduce_max3A_58 = tpu.scan <max>, %reduce_max3A_57 masked %reduce_max3A_54 : vector<16xi32>, vector<16xi1> -> vector<16xi32>
      %reduce_max3A_59 = arith.xori %reduce_max3A_58, %reduce_max3A_56 : vector<16xi32>
      %reduce_max3A_60 = vector.extract %reduce_max3A_59[15] : i32 from vector<16xi32>
      %while3A_61 = arith.constant 0 : i32
      %while3A_62 = arith.constant false
      %while3A_63:3 = scf.while (%while3A_154 = %reduce_max3A_60, %while3A_155 = %while3A_61, %while3A_156 = %while3A_62) : (i32, i32, i1) -> (i32, i32, i1) {
        %not3A = arith.constant true
        %not3A_157 = arith.xori %while3A_156, %not3A : i1
        scf.condition(%not3A_157) %while3A_154, %while3A_155, %while3A_156 : i32, i32, i1
      } do {
      ^bb0(%while3A_154: i32, %while3A_155: i32, %while3A_156: i1):
        %mul3A_157 = arith.constant 16 : i32
        %mul3A_158 = arith.muli %while3A_154, %mul3A_157 : i32
        %get3A = arith.index_cast %mul3A_158 : i32 to index
        %get3A_159 = tpu.vector_load %arg6[%get3A] {strides = array<i32>} : memref<4096xi32, #tpu.memory_space<vmem>>, vector<16xi32>,
        %reduce_sum3A = arith.constant true
        %reduce_sum3A_160 = vector.broadcast %reduce_sum3A : i1 to vector<16xi1>
        %reduce_sum3A_161 = tpu.scan <sum>, %get3A_159 masked %reduce_sum3A_160 : vector<16xi32>, vector<16xi1> -> vector<16xi32>
        %reduce_sum3A_162 = vector.extract %reduce_sum3A_161[15] : i32 from vector<16xi32>
        %add3A_163 = arith.addi %while3A_155, %reduce_sum3A_162 : i32
        %ge3A = arith.cmpi sge, %add3A_163, %sub3A_37 : i32
        %sub3A_164 = arith.constant 1 : i32
        %sub3A_165 = arith.subi %while3A_154, %sub3A_164 : i32
        %select_n3A_166 = arith.select %ge3A, %while3A_154, %sub3A_165 : i32
        %add3A_167 = arith.addi %while3A_155, %reduce_sum3A_162 : i32
        %select_n3A_168 = arith.select %ge3A, %while3A_155, %add3A_167 : i32
        scf.yield %select_n3A_166, %select_n3A_168, %ge3A : i32, i32, i1
      }
      %sub3A_64 = arith.subi %sub3A_37, %while3A_63#1 : i32
      %shift_left3A = arith.constant 8 : i32
      %shift_left3A_65 = arith.shli %sub3A_39, %shift_left3A : i32
      %or3A = arith.ori %shift_left3A_65, %while3A_63#0 : i32
      %scan3A_66 = arith.constant 0 : i32
      %scan3A_67 = arith.constant 0 : i32
      %scan3A_68 = arith.constant 32 : i32
      %scan3A_69 = arith.addi %scan3A_67, %scan3A_68 : i32
      %scan3A_70 = arith.constant 1 : i32
      %scan3A_71 = scf.for %scan3A_154 = %scan3A_67 to %scan3A_69 step %scan3A_70 iter_args(%scan3A_155 = %scan3A_66) -> (i32)  : i32 {
        %mul3A_156 = arith.constant 8 : i32
        %mul3A_157 = arith.muli %scan3A_154, %mul3A_156 : i32
        %add3A_158 = arith.constant 0 : i32
        %add3A_159 = arith.addi %mul3A_157, %add3A_158 : i32
        %mul3A_160 = arith.constant 16 : i32
        %mul3A_161 = arith.muli %add3A_159, %mul3A_160 : i32
        %swap3A = arith.index_cast %mul3A_161 : i32 to index
        %swap3A_162 = tpu.vector_load %arg6[%swap3A] {strides = array<i32>} : memref<4096xi32, #tpu.memory_space<vmem>>, vector<16xi32>,
        tpu.vector_store %arg6[%swap3A], %broadcast_in_dim3A_2 {strides = array<i32>} : memref<4096xi32, #tpu.memory_space<vmem>>, vector<16xi32>,
        %mul3A_163 = arith.constant 8 : i32
        %mul3A_164 = arith.muli %scan3A_154, %mul3A_163 : i32
        %add3A_165 = arith.constant 1 : i32
        %add3A_166 = arith.addi %mul3A_164, %add3A_165 : i32
        %mul3A_167 = arith.constant 16 : i32
        %mul3A_168 = arith.muli %add3A_166, %mul3A_167 : i32
        %swap3A_169 = arith.index_cast %mul3A_168 : i32 to index
        %swap3A_170 = tpu.vector_load %arg6[%swap3A_169] {strides = array<i32>} : memref<4096xi32, #tpu.memory_space<vmem>>, vector<16xi32>,
        tpu.vector_store %arg6[%swap3A_169], %broadcast_in_dim3A_2 {strides = array<i32>} : memref<4096xi32, #tpu.memory_space<vmem>>, vector<16xi32>,
        %mul3A_171 = arith.constant 8 : i32
        %mul3A_172 = arith.muli %scan3A_154, %mul3A_171 : i32
        %add3A_173 = arith.constant 2 : i32
        %add3A_174 = arith.addi %mul3A_172, %add3A_173 : i32
        %mul3A_175 = arith.constant 16 : i32
        %mul3A_176 = arith.muli %add3A_174, %mul3A_175 : i32
        %swap3A_177 = arith.index_cast %mul3A_176 : i32 to index
        %swap3A_178 = tpu.vector_load %arg6[%swap3A_177] {strides = array<i32>} : memref<4096xi32, #tpu.memory_space<vmem>>, vector<16xi32>,
        tpu.vector_store %arg6[%swap3A_177], %broadcast_in_dim3A_2 {strides = array<i32>} : memref<4096xi32, #tpu.memory_space<vmem>>, vector<16xi32>,
        %mul3A_179 = arith.constant 8 : i32
        %mul3A_180 = arith.muli %scan3A_154, %mul3A_179 : i32
        %add3A_181 = arith.constant 3 : i32
        %add3A_182 = arith.addi %mul3A_180, %add3A_181 : i32
        %mul3A_183 = arith.constant 16 : i32
        %mul3A_184 = arith.muli %add3A_182, %mul3A_183 : i32
        %swap3A_185 = arith.index_cast %mul3A_184 : i32 to index
        %swap3A_186 = tpu.vector_load %arg6[%swap3A_185] {strides = array<i32>} : memref<4096xi32, #tpu.memory_space<vmem>>, vector<16xi32>,
        tpu.vector_store %arg6[%swap3A_185], %broadcast_in_dim3A_2 {strides = array<i32>} : memref<4096xi32, #tpu.memory_space<vmem>>, vector<16xi32>,
        %mul3A_187 = arith.constant 8 : i32
        %mul3A_188 = arith.muli %scan3A_154, %mul3A_187 : i32
        %add3A_189 = arith.constant 4 : i32
        %add3A_190 = arith.addi %mul3A_188, %add3A_189 : i32
        %mul3A_191 = arith.constant 16 : i32
        %mul3A_192 = arith.muli %add3A_190, %mul3A_191 : i32
        %swap3A_193 = arith.index_cast %mul3A_192 : i32 to index
        %swap3A_194 = tpu.vector_load %arg6[%swap3A_193] {strides = array<i32>} : memref<4096xi32, #tpu.memory_space<vmem>>, vector<16xi32>,
        tpu.vector_store %arg6[%swap3A_193], %broadcast_in_dim3A_2 {strides = array<i32>} : memref<4096xi32, #tpu.memory_space<vmem>>, vector<16xi32>,
        %mul3A_195 = arith.constant 8 : i32
        %mul3A_196 = arith.muli %scan3A_154, %mul3A_195 : i32
        %add3A_197 = arith.constant 5 : i32
        %add3A_198 = arith.addi %mul3A_196, %add3A_197 : i32
        %mul3A_199 = arith.constant 16 : i32
        %mul3A_200 = arith.muli %add3A_198, %mul3A_199 : i32
        %swap3A_201 = arith.index_cast %mul3A_200 : i32 to index
        %swap3A_202 = tpu.vector_load %arg6[%swap3A_201] {strides = array<i32>} : memref<4096xi32, #tpu.memory_space<vmem>>, vector<16xi32>,
        tpu.vector_store %arg6[%swap3A_201], %broadcast_in_dim3A_2 {strides = array<i32>} : memref<4096xi32, #tpu.memory_space<vmem>>, vector<16xi32>,
        %mul3A_203 = arith.constant 8 : i32
        %mul3A_204 = arith.muli %scan3A_154, %mul3A_203 : i32
        %add3A_205 = arith.constant 6 : i32
        %add3A_206 = arith.addi %mul3A_204, %add3A_205 : i32
        %mul3A_207 = arith.constant 16 : i32
        %mul3A_208 = arith.muli %add3A_206, %mul3A_207 : i32
        %swap3A_209 = arith.index_cast %mul3A_208 : i32 to index
        %swap3A_210 = tpu.vector_load %arg6[%swap3A_209] {strides = array<i32>} : memref<4096xi32, #tpu.memory_space<vmem>>, vector<16xi32>,
        tpu.vector_store %arg6[%swap3A_209], %broadcast_in_dim3A_2 {strides = array<i32>} : memref<4096xi32, #tpu.memory_space<vmem>>, vector<16xi32>,
        %mul3A_211 = arith.constant 8 : i32
        %mul3A_212 = arith.muli %scan3A_154, %mul3A_211 : i32
        %add3A_213 = arith.constant 7 : i32
        %add3A_214 = arith.addi %mul3A_212, %add3A_213 : i32
        %mul3A_215 = arith.constant 16 : i32
        %mul3A_216 = arith.muli %add3A_214, %mul3A_215 : i32
        %swap3A_217 = arith.index_cast %mul3A_216 : i32 to index
        %swap3A_218 = tpu.vector_load %arg6[%swap3A_217] {strides = array<i32>} : memref<4096xi32, #tpu.memory_space<vmem>>, vector<16xi32>,
        tpu.vector_store %arg6[%swap3A_217], %broadcast_in_dim3A_2 {strides = array<i32>} : memref<4096xi32, #tpu.memory_space<vmem>>, vector<16xi32>,
        %scan3A_219 = arith.constant 0 : i32
        scf.yield %scan3A_219 : i32
      }
      %scan3A_72 = arith.constant 32 : i32
      %scan3A_73 = arith.constant 0 : i32
      %scan3A_74 = arith.constant 256 : i32
      %scan3A_75 = arith.addi %scan3A_73, %scan3A_74 : i32
      %scan3A_76 = arith.constant 1 : i32
      %scan3A_77 = scf.for %scan3A_154 = %scan3A_73 to %scan3A_75 step %scan3A_76 iter_args(%scan3A_155 = %broadcast_in_dim3A_2) -> (vector<16xi32>)  : i32 {
        %mul3A_156 = arith.constant 8 : i32
        %mul3A_157 = arith.muli %scan3A_154, %mul3A_156 : i32
        %add3A_158 = arith.constant 0 : i32
        %add3A_159 = arith.addi %mul3A_157, %add3A_158 : i32
        %mul3A_160 = arith.constant 16 : i32
        %mul3A_161 = arith.muli %add3A_159, %mul3A_160 : i32
        %get3A = arith.index_cast %mul3A_161 : i32 to index
        %get3A_162 = tpu.vector_load %arg5[%get3A] {strides = array<i32>} : memref<32768xi32, #tpu.memory_space<vmem>>, vector<16xi32>,
        %shift_right_arithmetic3A = arith.constant 16 : i32
        %shift_right_arithmetic3A_163 = vector.broadcast %shift_right_arithmetic3A : i32 to vector<16xi32>
        %shift_right_arithmetic3A_164 = arith.shrsi %get3A_162, %shift_right_arithmetic3A_163 : vector<16xi32>
        %eq3A_165 = vector.broadcast %or3A : i32 to vector<16xi32>
        %eq3A_166 = arith.cmpi eq, %shift_right_arithmetic3A_164, %eq3A_165 : vector<16xi32>
        %shift_right_arithmetic3A_167 = arith.constant 8 : i32
        %shift_right_arithmetic3A_168 = vector.broadcast %shift_right_arithmetic3A_167 : i32 to vector<16xi32>
        %shift_right_arithmetic3A_169 = arith.shrsi %get3A_162, %shift_right_arithmetic3A_168 : vector<16xi32>
        %and3A_170 = arith.constant 255 : i32
        %and3A_171 = vector.broadcast %and3A_170 : i32 to vector<16xi32>
        %and3A_172 = arith.andi %shift_right_arithmetic3A_169, %and3A_171 : vector<16xi32>
        %shift_left3A_173 = arith.constant 4 : i32
        %shift_left3A_174 = vector.broadcast %shift_left3A_173 : i32 to vector<16xi32>
        %shift_left3A_175 = arith.shli %and3A_172, %shift_left3A_174 : vector<16xi32>
        %or3A_176 = arith.ori %shift_left3A_175, %iota3A : vector<16xi32>
        tpu.vector_store_idx %arg6[%or3A_176], %broadcast_in_dim3A_0 masked %eq3A_166 {add = true} : memref<4096xi32, #tpu.memory_space<vmem>>[vector<16xi32>], vector<16xi32>, vector<16xi1>
        %jit3A_177 = arith.constant 0 : i32
        %broadcast_in_dim3A_178 = vector.broadcast %jit3A_177 : i32 to vector<16xi32>
        %select_n3A_179 = arith.select %eq3A_166, %and3A_172, %broadcast_in_dim3A_178 : vector<16xi1>, vector<16xi32>
        %max3A = arith.maxsi %scan3A_155, %select_n3A_179 : vector<16xi32>
        %mul3A_180 = arith.constant 8 : i32
        %mul3A_181 = arith.muli %scan3A_154, %mul3A_180 : i32
        %add3A_182 = arith.constant 1 : i32
        %add3A_183 = arith.addi %mul3A_181, %add3A_182 : i32
        %mul3A_184 = arith.constant 16 : i32
        %mul3A_185 = arith.muli %add3A_183, %mul3A_184 : i32
        %get3A_186 = arith.index_cast %mul3A_185 : i32 to index
        %get3A_187 = tpu.vector_load %arg5[%get3A_186] {strides = array<i32>} : memref<32768xi32, #tpu.memory_space<vmem>>, vector<16xi32>,
        %shift_right_arithmetic3A_188 = arith.constant 16 : i32
        %shift_right_arithmetic3A_189 = vector.broadcast %shift_right_arithmetic3A_188 : i32 to vector<16xi32>
        %shift_right_arithmetic3A_190 = arith.shrsi %get3A_187, %shift_right_arithmetic3A_189 : vector<16xi32>
        %eq3A_191 = vector.broadcast %or3A : i32 to vector<16xi32>
        %eq3A_192 = arith.cmpi eq, %shift_right_arithmetic3A_190, %eq3A_191 : vector<16xi32>
        %shift_right_arithmetic3A_193 = arith.constant 8 : i32
        %shift_right_arithmetic3A_194 = vector.broadcast %shift_right_arithmetic3A_193 : i32 to vector<16xi32>
        %shift_right_arithmetic3A_195 = arith.shrsi %get3A_187, %shift_right_arithmetic3A_194 : vector<16xi32>
        %and3A_196 = arith.constant 255 : i32
        %and3A_197 = vector.broadcast %and3A_196 : i32 to vector<16xi32>
        %and3A_198 = arith.andi %shift_right_arithmetic3A_195, %and3A_197 : vector<16xi32>
        %shift_left3A_199 = arith.constant 4 : i32
        %shift_left3A_200 = vector.broadcast %shift_left3A_199 : i32 to vector<16xi32>
        %shift_left3A_201 = arith.shli %and3A_198, %shift_left3A_200 : vector<16xi32>
        %or3A_202 = arith.ori %shift_left3A_201, %iota3A : vector<16xi32>
        tpu.vector_store_idx %arg6[%or3A_202], %broadcast_in_dim3A_0 masked %eq3A_192 {add = true} : memref<4096xi32, #tpu.memory_space<vmem>>[vector<16xi32>], vector<16xi32>, vector<16xi1>
        %jit3A_203 = arith.constant 0 : i32
        %broadcast_in_dim3A_204 = vector.broadcast %jit3A_203 : i32 to vector<16xi32>
        %select_n3A_205 = arith.select %eq3A_192, %and3A_198, %broadcast_in_dim3A_204 : vector<16xi1>, vector<16xi32>
        %max3A_206 = arith.maxsi %max3A, %select_n3A_205 : vector<16xi32>
        %mul3A_207 = arith.constant 8 : i32
        %mul3A_208 = arith.muli %scan3A_154, %mul3A_207 : i32
        %add3A_209 = arith.constant 2 : i32
        %add3A_210 = arith.addi %mul3A_208, %add3A_209 : i32
        %mul3A_211 = arith.constant 16 : i32
        %mul3A_212 = arith.muli %add3A_210, %mul3A_211 : i32
        %get3A_213 = arith.index_cast %mul3A_212 : i32 to index
        %get3A_214 = tpu.vector_load %arg5[%get3A_213] {strides = array<i32>} : memref<32768xi32, #tpu.memory_space<vmem>>, vector<16xi32>,
        %shift_right_arithmetic3A_215 = arith.constant 16 : i32
        %shift_right_arithmetic3A_216 = vector.broadcast %shift_right_arithmetic3A_215 : i32 to vector<16xi32>
        %shift_right_arithmetic3A_217 = arith.shrsi %get3A_214, %shift_right_arithmetic3A_216 : vector<16xi32>
        %eq3A_218 = vector.broadcast %or3A : i32 to vector<16xi32>
        %eq3A_219 = arith.cmpi eq, %shift_right_arithmetic3A_217, %eq3A_218 : vector<16xi32>
        %shift_right_arithmetic3A_220 = arith.constant 8 : i32
        %shift_right_arithmetic3A_221 = vector.broadcast %shift_right_arithmetic3A_220 : i32 to vector<16xi32>
        %shift_right_arithmetic3A_222 = arith.shrsi %get3A_214, %shift_right_arithmetic3A_221 : vector<16xi32>
        %and3A_223 = arith.constant 255 : i32
        %and3A_224 = vector.broadcast %and3A_223 : i32 to vector<16xi32>
        %and3A_225 = arith.andi %shift_right_arithmetic3A_222, %and3A_224 : vector<16xi32>
        %shift_left3A_226 = arith.constant 4 : i32
        %shift_left3A_227 = vector.broadcast %shift_left3A_226 : i32 to vector<16xi32>
        %shift_left3A_228 = arith.shli %and3A_225, %shift_left3A_227 : vector<16xi32>
        %or3A_229 = arith.ori %shift_left3A_228, %iota3A : vector<16xi32>
        tpu.vector_store_idx %arg6[%or3A_229], %broadcast_in_dim3A_0 masked %eq3A_219 {add = true} : memref<4096xi32, #tpu.memory_space<vmem>>[vector<16xi32>], vector<16xi32>, vector<16xi1>
        %jit3A_230 = arith.constant 0 : i32
        %broadcast_in_dim3A_231 = vector.broadcast %jit3A_230 : i32 to vector<16xi32>
        %select_n3A_232 = arith.select %eq3A_219, %and3A_225, %broadcast_in_dim3A_231 : vector<16xi1>, vector<16xi32>
        %max3A_233 = arith.maxsi %max3A_206, %select_n3A_232 : vector<16xi32>
        %mul3A_234 = arith.constant 8 : i32
        %mul3A_235 = arith.muli %scan3A_154, %mul3A_234 : i32
        %add3A_236 = arith.constant 3 : i32
        %add3A_237 = arith.addi %mul3A_235, %add3A_236 : i32
        %mul3A_238 = arith.constant 16 : i32
        %mul3A_239 = arith.muli %add3A_237, %mul3A_238 : i32
        %get3A_240 = arith.index_cast %mul3A_239 : i32 to index
        %get3A_241 = tpu.vector_load %arg5[%get3A_240] {strides = array<i32>} : memref<32768xi32, #tpu.memory_space<vmem>>, vector<16xi32>,
        %shift_right_arithmetic3A_242 = arith.constant 16 : i32
        %shift_right_arithmetic3A_243 = vector.broadcast %shift_right_arithmetic3A_242 : i32 to vector<16xi32>
        %shift_right_arithmetic3A_244 = arith.shrsi %get3A_241, %shift_right_arithmetic3A_243 : vector<16xi32>
        %eq3A_245 = vector.broadcast %or3A : i32 to vector<16xi32>
        %eq3A_246 = arith.cmpi eq, %shift_right_arithmetic3A_244, %eq3A_245 : vector<16xi32>
        %shift_right_arithmetic3A_247 = arith.constant 8 : i32
        %shift_right_arithmetic3A_248 = vector.broadcast %shift_right_arithmetic3A_247 : i32 to vector<16xi32>
        %shift_right_arithmetic3A_249 = arith.shrsi %get3A_241, %shift_right_arithmetic3A_248 : vector<16xi32>
        %and3A_250 = arith.constant 255 : i32
        %and3A_251 = vector.broadcast %and3A_250 : i32 to vector<16xi32>
        %and3A_252 = arith.andi %shift_right_arithmetic3A_249, %and3A_251 : vector<16xi32>
        %shift_left3A_253 = arith.constant 4 : i32
        %shift_left3A_254 = vector.broadcast %shift_left3A_253 : i32 to vector<16xi32>
        %shift_left3A_255 = arith.shli %and3A_252, %shift_left3A_254 : vector<16xi32>
        %or3A_256 = arith.ori %shift_left3A_255, %iota3A : vector<16xi32>
        tpu.vector_store_idx %arg6[%or3A_256], %broadcast_in_dim3A_0 masked %eq3A_246 {add = true} : memref<4096xi32, #tpu.memory_space<vmem>>[vector<16xi32>], vector<16xi32>, vector<16xi1>
        %jit3A_257 = arith.constant 0 : i32
        %broadcast_in_dim3A_258 = vector.broadcast %jit3A_257 : i32 to vector<16xi32>
        %select_n3A_259 = arith.select %eq3A_246, %and3A_252, %broadcast_in_dim3A_258 : vector<16xi1>, vector<16xi32>
        %max3A_260 = arith.maxsi %max3A_233, %select_n3A_259 : vector<16xi32>
        %mul3A_261 = arith.constant 8 : i32
        %mul3A_262 = arith.muli %scan3A_154, %mul3A_261 : i32
        %add3A_263 = arith.constant 4 : i32
        %add3A_264 = arith.addi %mul3A_262, %add3A_263 : i32
        %mul3A_265 = arith.constant 16 : i32
        %mul3A_266 = arith.muli %add3A_264, %mul3A_265 : i32
        %get3A_267 = arith.index_cast %mul3A_266 : i32 to index
        %get3A_268 = tpu.vector_load %arg5[%get3A_267] {strides = array<i32>} : memref<32768xi32, #tpu.memory_space<vmem>>, vector<16xi32>,
        %shift_right_arithmetic3A_269 = arith.constant 16 : i32
        %shift_right_arithmetic3A_270 = vector.broadcast %shift_right_arithmetic3A_269 : i32 to vector<16xi32>
        %shift_right_arithmetic3A_271 = arith.shrsi %get3A_268, %shift_right_arithmetic3A_270 : vector<16xi32>
        %eq3A_272 = vector.broadcast %or3A : i32 to vector<16xi32>
        %eq3A_273 = arith.cmpi eq, %shift_right_arithmetic3A_271, %eq3A_272 : vector<16xi32>
        %shift_right_arithmetic3A_274 = arith.constant 8 : i32
        %shift_right_arithmetic3A_275 = vector.broadcast %shift_right_arithmetic3A_274 : i32 to vector<16xi32>
        %shift_right_arithmetic3A_276 = arith.shrsi %get3A_268, %shift_right_arithmetic3A_275 : vector<16xi32>
        %and3A_277 = arith.constant 255 : i32
        %and3A_278 = vector.broadcast %and3A_277 : i32 to vector<16xi32>
        %and3A_279 = arith.andi %shift_right_arithmetic3A_276, %and3A_278 : vector<16xi32>
        %shift_left3A_280 = arith.constant 4 : i32
        %shift_left3A_281 = vector.broadcast %shift_left3A_280 : i32 to vector<16xi32>
        %shift_left3A_282 = arith.shli %and3A_279, %shift_left3A_281 : vector<16xi32>
        %or3A_283 = arith.ori %shift_left3A_282, %iota3A : vector<16xi32>
        tpu.vector_store_idx %arg6[%or3A_283], %broadcast_in_dim3A_0 masked %eq3A_273 {add = true} : memref<4096xi32, #tpu.memory_space<vmem>>[vector<16xi32>], vector<16xi32>, vector<16xi1>
        %jit3A_284 = arith.constant 0 : i32
        %broadcast_in_dim3A_285 = vector.broadcast %jit3A_284 : i32 to vector<16xi32>
        %select_n3A_286 = arith.select %eq3A_273, %and3A_279, %broadcast_in_dim3A_285 : vector<16xi1>, vector<16xi32>
        %max3A_287 = arith.maxsi %max3A_260, %select_n3A_286 : vector<16xi32>
        %mul3A_288 = arith.constant 8 : i32
        %mul3A_289 = arith.muli %scan3A_154, %mul3A_288 : i32
        %add3A_290 = arith.constant 5 : i32
        %add3A_291 = arith.addi %mul3A_289, %add3A_290 : i32
        %mul3A_292 = arith.constant 16 : i32
        %mul3A_293 = arith.muli %add3A_291, %mul3A_292 : i32
        %get3A_294 = arith.index_cast %mul3A_293 : i32 to index
        %get3A_295 = tpu.vector_load %arg5[%get3A_294] {strides = array<i32>} : memref<32768xi32, #tpu.memory_space<vmem>>, vector<16xi32>,
        %shift_right_arithmetic3A_296 = arith.constant 16 : i32
        %shift_right_arithmetic3A_297 = vector.broadcast %shift_right_arithmetic3A_296 : i32 to vector<16xi32>
        %shift_right_arithmetic3A_298 = arith.shrsi %get3A_295, %shift_right_arithmetic3A_297 : vector<16xi32>
        %eq3A_299 = vector.broadcast %or3A : i32 to vector<16xi32>
        %eq3A_300 = arith.cmpi eq, %shift_right_arithmetic3A_298, %eq3A_299 : vector<16xi32>
        %shift_right_arithmetic3A_301 = arith.constant 8 : i32
        %shift_right_arithmetic3A_302 = vector.broadcast %shift_right_arithmetic3A_301 : i32 to vector<16xi32>
        %shift_right_arithmetic3A_303 = arith.shrsi %get3A_295, %shift_right_arithmetic3A_302 : vector<16xi32>
        %and3A_304 = arith.constant 255 : i32
        %and3A_305 = vector.broadcast %and3A_304 : i32 to vector<16xi32>
        %and3A_306 = arith.andi %shift_right_arithmetic3A_303, %and3A_305 : vector<16xi32>
        %shift_left3A_307 = arith.constant 4 : i32
        %shift_left3A_308 = vector.broadcast %shift_left3A_307 : i32 to vector<16xi32>
        %shift_left3A_309 = arith.shli %and3A_306, %shift_left3A_308 : vector<16xi32>
        %or3A_310 = arith.ori %shift_left3A_309, %iota3A : vector<16xi32>
        tpu.vector_store_idx %arg6[%or3A_310], %broadcast_in_dim3A_0 masked %eq3A_300 {add = true} : memref<4096xi32, #tpu.memory_space<vmem>>[vector<16xi32>], vector<16xi32>, vector<16xi1>
        %jit3A_311 = arith.constant 0 : i32
        %broadcast_in_dim3A_312 = vector.broadcast %jit3A_311 : i32 to vector<16xi32>
        %select_n3A_313 = arith.select %eq3A_300, %and3A_306, %broadcast_in_dim3A_312 : vector<16xi1>, vector<16xi32>
        %max3A_314 = arith.maxsi %max3A_287, %select_n3A_313 : vector<16xi32>
        %mul3A_315 = arith.constant 8 : i32
        %mul3A_316 = arith.muli %scan3A_154, %mul3A_315 : i32
        %add3A_317 = arith.constant 6 : i32
        %add3A_318 = arith.addi %mul3A_316, %add3A_317 : i32
        %mul3A_319 = arith.constant 16 : i32
        %mul3A_320 = arith.muli %add3A_318, %mul3A_319 : i32
        %get3A_321 = arith.index_cast %mul3A_320 : i32 to index
        %get3A_322 = tpu.vector_load %arg5[%get3A_321] {strides = array<i32>} : memref<32768xi32, #tpu.memory_space<vmem>>, vector<16xi32>,
        %shift_right_arithmetic3A_323 = arith.constant 16 : i32
        %shift_right_arithmetic3A_324 = vector.broadcast %shift_right_arithmetic3A_323 : i32 to vector<16xi32>
        %shift_right_arithmetic3A_325 = arith.shrsi %get3A_322, %shift_right_arithmetic3A_324 : vector<16xi32>
        %eq3A_326 = vector.broadcast %or3A : i32 to vector<16xi32>
        %eq3A_327 = arith.cmpi eq, %shift_right_arithmetic3A_325, %eq3A_326 : vector<16xi32>
        %shift_right_arithmetic3A_328 = arith.constant 8 : i32
        %shift_right_arithmetic3A_329 = vector.broadcast %shift_right_arithmetic3A_328 : i32 to vector<16xi32>
        %shift_right_arithmetic3A_330 = arith.shrsi %get3A_322, %shift_right_arithmetic3A_329 : vector<16xi32>
        %and3A_331 = arith.constant 255 : i32
        %and3A_332 = vector.broadcast %and3A_331 : i32 to vector<16xi32>
        %and3A_333 = arith.andi %shift_right_arithmetic3A_330, %and3A_332 : vector<16xi32>
        %shift_left3A_334 = arith.constant 4 : i32
        %shift_left3A_335 = vector.broadcast %shift_left3A_334 : i32 to vector<16xi32>
        %shift_left3A_336 = arith.shli %and3A_333, %shift_left3A_335 : vector<16xi32>
        %or3A_337 = arith.ori %shift_left3A_336, %iota3A : vector<16xi32>
        tpu.vector_store_idx %arg6[%or3A_337], %broadcast_in_dim3A_0 masked %eq3A_327 {add = true} : memref<4096xi32, #tpu.memory_space<vmem>>[vector<16xi32>], vector<16xi32>, vector<16xi1>
        %jit3A_338 = arith.constant 0 : i32
        %broadcast_in_dim3A_339 = vector.broadcast %jit3A_338 : i32 to vector<16xi32>
        %select_n3A_340 = arith.select %eq3A_327, %and3A_333, %broadcast_in_dim3A_339 : vector<16xi1>, vector<16xi32>
        %max3A_341 = arith.maxsi %max3A_314, %select_n3A_340 : vector<16xi32>
        %mul3A_342 = arith.constant 8 : i32
        %mul3A_343 = arith.muli %scan3A_154, %mul3A_342 : i32
        %add3A_344 = arith.constant 7 : i32
        %add3A_345 = arith.addi %mul3A_343, %add3A_344 : i32
        %mul3A_346 = arith.constant 16 : i32
        %mul3A_347 = arith.muli %add3A_345, %mul3A_346 : i32
        %get3A_348 = arith.index_cast %mul3A_347 : i32 to index
        %get3A_349 = tpu.vector_load %arg5[%get3A_348] {strides = array<i32>} : memref<32768xi32, #tpu.memory_space<vmem>>, vector<16xi32>,
        %shift_right_arithmetic3A_350 = arith.constant 16 : i32
        %shift_right_arithmetic3A_351 = vector.broadcast %shift_right_arithmetic3A_350 : i32 to vector<16xi32>
        %shift_right_arithmetic3A_352 = arith.shrsi %get3A_349, %shift_right_arithmetic3A_351 : vector<16xi32>
        %eq3A_353 = vector.broadcast %or3A : i32 to vector<16xi32>
        %eq3A_354 = arith.cmpi eq, %shift_right_arithmetic3A_352, %eq3A_353 : vector<16xi32>
        %shift_right_arithmetic3A_355 = arith.constant 8 : i32
        %shift_right_arithmetic3A_356 = vector.broadcast %shift_right_arithmetic3A_355 : i32 to vector<16xi32>
        %shift_right_arithmetic3A_357 = arith.shrsi %get3A_349, %shift_right_arithmetic3A_356 : vector<16xi32>
        %and3A_358 = arith.constant 255 : i32
        %and3A_359 = vector.broadcast %and3A_358 : i32 to vector<16xi32>
        %and3A_360 = arith.andi %shift_right_arithmetic3A_357, %and3A_359 : vector<16xi32>
        %shift_left3A_361 = arith.constant 4 : i32
        %shift_left3A_362 = vector.broadcast %shift_left3A_361 : i32 to vector<16xi32>
        %shift_left3A_363 = arith.shli %and3A_360, %shift_left3A_362 : vector<16xi32>
        %or3A_364 = arith.ori %shift_left3A_363, %iota3A : vector<16xi32>
        tpu.vector_store_idx %arg6[%or3A_364], %broadcast_in_dim3A_0 masked %eq3A_354 {add = true} : memref<4096xi32, #tpu.memory_space<vmem>>[vector<16xi32>], vector<16xi32>, vector<16xi1>
        %jit3A_365 = arith.constant 0 : i32
        %broadcast_in_dim3A_366 = vector.broadcast %jit3A_365 : i32 to vector<16xi32>
        %select_n3A_367 = arith.select %eq3A_354, %and3A_360, %broadcast_in_dim3A_366 : vector<16xi1>, vector<16xi32>
        %max3A_368 = arith.maxsi %max3A_341, %select_n3A_367 : vector<16xi32>
        scf.yield %max3A_368 : vector<16xi32>
      }
      %scan3A_78 = arith.constant 256 : i32
      %reduce_max3A_79 = arith.constant true
      %reduce_max3A_80 = vector.broadcast %reduce_max3A_79 : i1 to vector<16xi1>
      %reduce_max3A_81 = arith.constant -2147483648 : i32
      %reduce_max3A_82 = vector.broadcast %reduce_max3A_81 : i32 to vector<16xi32>
      %reduce_max3A_83 = arith.xori %scan3A_77, %reduce_max3A_82 : vector<16xi32>
      %reduce_max3A_84 = tpu.scan <max>, %reduce_max3A_83 masked %reduce_max3A_80 : vector<16xi32>, vector<16xi1> -> vector<16xi32>
      %reduce_max3A_85 = arith.xori %reduce_max3A_84, %reduce_max3A_82 : vector<16xi32>
      %reduce_max3A_86 = vector.extract %reduce_max3A_85[15] : i32 from vector<16xi32>
      %while3A_87 = arith.constant 0 : i32
      %while3A_88 = arith.constant false
      %while3A_89:3 = scf.while (%while3A_154 = %reduce_max3A_86, %while3A_155 = %while3A_87, %while3A_156 = %while3A_88) : (i32, i32, i1) -> (i32, i32, i1) {
        %not3A = arith.constant true
        %not3A_157 = arith.xori %while3A_156, %not3A : i1
        scf.condition(%not3A_157) %while3A_154, %while3A_155, %while3A_156 : i32, i32, i1
      } do {
      ^bb0(%while3A_154: i32, %while3A_155: i32, %while3A_156: i1):
        %mul3A_157 = arith.constant 16 : i32
        %mul3A_158 = arith.muli %while3A_154, %mul3A_157 : i32
        %get3A = arith.index_cast %mul3A_158 : i32 to index
        %get3A_159 = tpu.vector_load %arg6[%get3A] {strides = array<i32>} : memref<4096xi32, #tpu.memory_space<vmem>>, vector<16xi32>,
        %reduce_sum3A = arith.constant true
        %reduce_sum3A_160 = vector.broadcast %reduce_sum3A : i1 to vector<16xi1>
        %reduce_sum3A_161 = tpu.scan <sum>, %get3A_159 masked %reduce_sum3A_160 : vector<16xi32>, vector<16xi1> -> vector<16xi32>
        %reduce_sum3A_162 = vector.extract %reduce_sum3A_161[15] : i32 from vector<16xi32>
        %add3A_163 = arith.addi %while3A_155, %reduce_sum3A_162 : i32
        %ge3A = arith.cmpi sge, %add3A_163, %sub3A_64 : i32
        %sub3A_164 = arith.constant 1 : i32
        %sub3A_165 = arith.subi %while3A_154, %sub3A_164 : i32
        %select_n3A_166 = arith.select %ge3A, %while3A_154, %sub3A_165 : i32
        %add3A_167 = arith.addi %while3A_155, %reduce_sum3A_162 : i32
        %select_n3A_168 = arith.select %ge3A, %while3A_155, %add3A_167 : i32
        scf.yield %select_n3A_166, %select_n3A_168, %ge3A : i32, i32, i1
      }
      %sub3A_90 = arith.subi %sub3A_64, %while3A_89#1 : i32
      %shift_left3A_91 = arith.constant 8 : i32
      %shift_left3A_92 = arith.shli %or3A, %shift_left3A_91 : i32
      %or3A_93 = arith.ori %shift_left3A_92, %while3A_89#0 : i32
      %scan3A_94 = arith.constant 0 : i32
      %scan3A_95 = arith.constant 0 : i32
      %scan3A_96 = arith.constant 32 : i32
      %scan3A_97 = arith.addi %scan3A_95, %scan3A_96 : i32
      %scan3A_98 = arith.constant 1 : i32
      %scan3A_99 = scf.for %scan3A_154 = %scan3A_95 to %scan3A_97 step %scan3A_98 iter_args(%scan3A_155 = %scan3A_94) -> (i32)  : i32 {
        %mul3A_156 = arith.constant 8 : i32
        %mul3A_157 = arith.muli %scan3A_154, %mul3A_156 : i32
        %add3A_158 = arith.constant 0 : i32
        %add3A_159 = arith.addi %mul3A_157, %add3A_158 : i32
        %mul3A_160 = arith.constant 16 : i32
        %mul3A_161 = arith.muli %add3A_159, %mul3A_160 : i32
        %swap3A = arith.index_cast %mul3A_161 : i32 to index
        %swap3A_162 = tpu.vector_load %arg6[%swap3A] {strides = array<i32>} : memref<4096xi32, #tpu.memory_space<vmem>>, vector<16xi32>,
        tpu.vector_store %arg6[%swap3A], %broadcast_in_dim3A_2 {strides = array<i32>} : memref<4096xi32, #tpu.memory_space<vmem>>, vector<16xi32>,
        %mul3A_163 = arith.constant 8 : i32
        %mul3A_164 = arith.muli %scan3A_154, %mul3A_163 : i32
        %add3A_165 = arith.constant 1 : i32
        %add3A_166 = arith.addi %mul3A_164, %add3A_165 : i32
        %mul3A_167 = arith.constant 16 : i32
        %mul3A_168 = arith.muli %add3A_166, %mul3A_167 : i32
        %swap3A_169 = arith.index_cast %mul3A_168 : i32 to index
        %swap3A_170 = tpu.vector_load %arg6[%swap3A_169] {strides = array<i32>} : memref<4096xi32, #tpu.memory_space<vmem>>, vector<16xi32>,
        tpu.vector_store %arg6[%swap3A_169], %broadcast_in_dim3A_2 {strides = array<i32>} : memref<4096xi32, #tpu.memory_space<vmem>>, vector<16xi32>,
        %mul3A_171 = arith.constant 8 : i32
        %mul3A_172 = arith.muli %scan3A_154, %mul3A_171 : i32
        %add3A_173 = arith.constant 2 : i32
        %add3A_174 = arith.addi %mul3A_172, %add3A_173 : i32
        %mul3A_175 = arith.constant 16 : i32
        %mul3A_176 = arith.muli %add3A_174, %mul3A_175 : i32
        %swap3A_177 = arith.index_cast %mul3A_176 : i32 to index
        %swap3A_178 = tpu.vector_load %arg6[%swap3A_177] {strides = array<i32>} : memref<4096xi32, #tpu.memory_space<vmem>>, vector<16xi32>,
        tpu.vector_store %arg6[%swap3A_177], %broadcast_in_dim3A_2 {strides = array<i32>} : memref<4096xi32, #tpu.memory_space<vmem>>, vector<16xi32>,
        %mul3A_179 = arith.constant 8 : i32
        %mul3A_180 = arith.muli %scan3A_154, %mul3A_179 : i32
        %add3A_181 = arith.constant 3 : i32
        %add3A_182 = arith.addi %mul3A_180, %add3A_181 : i32
        %mul3A_183 = arith.constant 16 : i32
        %mul3A_184 = arith.muli %add3A_182, %mul3A_183 : i32
        %swap3A_185 = arith.index_cast %mul3A_184 : i32 to index
        %swap3A_186 = tpu.vector_load %arg6[%swap3A_185] {strides = array<i32>} : memref<4096xi32, #tpu.memory_space<vmem>>, vector<16xi32>,
        tpu.vector_store %arg6[%swap3A_185], %broadcast_in_dim3A_2 {strides = array<i32>} : memref<4096xi32, #tpu.memory_space<vmem>>, vector<16xi32>,
        %mul3A_187 = arith.constant 8 : i32
        %mul3A_188 = arith.muli %scan3A_154, %mul3A_187 : i32
        %add3A_189 = arith.constant 4 : i32
        %add3A_190 = arith.addi %mul3A_188, %add3A_189 : i32
        %mul3A_191 = arith.constant 16 : i32
        %mul3A_192 = arith.muli %add3A_190, %mul3A_191 : i32
        %swap3A_193 = arith.index_cast %mul3A_192 : i32 to index
        %swap3A_194 = tpu.vector_load %arg6[%swap3A_193] {strides = array<i32>} : memref<4096xi32, #tpu.memory_space<vmem>>, vector<16xi32>,
        tpu.vector_store %arg6[%swap3A_193], %broadcast_in_dim3A_2 {strides = array<i32>} : memref<4096xi32, #tpu.memory_space<vmem>>, vector<16xi32>,
        %mul3A_195 = arith.constant 8 : i32
        %mul3A_196 = arith.muli %scan3A_154, %mul3A_195 : i32
        %add3A_197 = arith.constant 5 : i32
        %add3A_198 = arith.addi %mul3A_196, %add3A_197 : i32
        %mul3A_199 = arith.constant 16 : i32
        %mul3A_200 = arith.muli %add3A_198, %mul3A_199 : i32
        %swap3A_201 = arith.index_cast %mul3A_200 : i32 to index
        %swap3A_202 = tpu.vector_load %arg6[%swap3A_201] {strides = array<i32>} : memref<4096xi32, #tpu.memory_space<vmem>>, vector<16xi32>,
        tpu.vector_store %arg6[%swap3A_201], %broadcast_in_dim3A_2 {strides = array<i32>} : memref<4096xi32, #tpu.memory_space<vmem>>, vector<16xi32>,
        %mul3A_203 = arith.constant 8 : i32
        %mul3A_204 = arith.muli %scan3A_154, %mul3A_203 : i32
        %add3A_205 = arith.constant 6 : i32
        %add3A_206 = arith.addi %mul3A_204, %add3A_205 : i32
        %mul3A_207 = arith.constant 16 : i32
        %mul3A_208 = arith.muli %add3A_206, %mul3A_207 : i32
        %swap3A_209 = arith.index_cast %mul3A_208 : i32 to index
        %swap3A_210 = tpu.vector_load %arg6[%swap3A_209] {strides = array<i32>} : memref<4096xi32, #tpu.memory_space<vmem>>, vector<16xi32>,
        tpu.vector_store %arg6[%swap3A_209], %broadcast_in_dim3A_2 {strides = array<i32>} : memref<4096xi32, #tpu.memory_space<vmem>>, vector<16xi32>,
        %mul3A_211 = arith.constant 8 : i32
        %mul3A_212 = arith.muli %scan3A_154, %mul3A_211 : i32
        %add3A_213 = arith.constant 7 : i32
        %add3A_214 = arith.addi %mul3A_212, %add3A_213 : i32
        %mul3A_215 = arith.constant 16 : i32
        %mul3A_216 = arith.muli %add3A_214, %mul3A_215 : i32
        %swap3A_217 = arith.index_cast %mul3A_216 : i32 to index
        %swap3A_218 = tpu.vector_load %arg6[%swap3A_217] {strides = array<i32>} : memref<4096xi32, #tpu.memory_space<vmem>>, vector<16xi32>,
        tpu.vector_store %arg6[%swap3A_217], %broadcast_in_dim3A_2 {strides = array<i32>} : memref<4096xi32, #tpu.memory_space<vmem>>, vector<16xi32>,
        %scan3A_219 = arith.constant 0 : i32
        scf.yield %scan3A_219 : i32
      }
      %scan3A_100 = arith.constant 32 : i32
      %scan3A_101 = arith.constant 0 : i32
      %scan3A_102 = arith.constant 256 : i32
      %scan3A_103 = arith.addi %scan3A_101, %scan3A_102 : i32
      %scan3A_104 = arith.constant 1 : i32
      %scan3A_105 = scf.for %scan3A_154 = %scan3A_101 to %scan3A_103 step %scan3A_104 iter_args(%scan3A_155 = %broadcast_in_dim3A_2) -> (vector<16xi32>)  : i32 {
        %mul3A_156 = arith.constant 8 : i32
        %mul3A_157 = arith.muli %scan3A_154, %mul3A_156 : i32
        %add3A_158 = arith.constant 0 : i32
        %add3A_159 = arith.addi %mul3A_157, %add3A_158 : i32
        %mul3A_160 = arith.constant 16 : i32
        %mul3A_161 = arith.muli %add3A_159, %mul3A_160 : i32
        %get3A = arith.index_cast %mul3A_161 : i32 to index
        %get3A_162 = tpu.vector_load %arg5[%get3A] {strides = array<i32>} : memref<32768xi32, #tpu.memory_space<vmem>>, vector<16xi32>,
        %shift_right_arithmetic3A = arith.constant 8 : i32
        %shift_right_arithmetic3A_163 = vector.broadcast %shift_right_arithmetic3A : i32 to vector<16xi32>
        %shift_right_arithmetic3A_164 = arith.shrsi %get3A_162, %shift_right_arithmetic3A_163 : vector<16xi32>
        %eq3A_165 = vector.broadcast %or3A_93 : i32 to vector<16xi32>
        %eq3A_166 = arith.cmpi eq, %shift_right_arithmetic3A_164, %eq3A_165 : vector<16xi32>
        %shift_right_arithmetic3A_167 = arith.constant 0 : i32
        %shift_right_arithmetic3A_168 = vector.broadcast %shift_right_arithmetic3A_167 : i32 to vector<16xi32>
        %shift_right_arithmetic3A_169 = arith.shrsi %get3A_162, %shift_right_arithmetic3A_168 : vector<16xi32>
        %and3A_170 = arith.constant 255 : i32
        %and3A_171 = vector.broadcast %and3A_170 : i32 to vector<16xi32>
        %and3A_172 = arith.andi %shift_right_arithmetic3A_169, %and3A_171 : vector<16xi32>
        %shift_left3A_173 = arith.constant 4 : i32
        %shift_left3A_174 = vector.broadcast %shift_left3A_173 : i32 to vector<16xi32>
        %shift_left3A_175 = arith.shli %and3A_172, %shift_left3A_174 : vector<16xi32>
        %or3A_176 = arith.ori %shift_left3A_175, %iota3A : vector<16xi32>
        tpu.vector_store_idx %arg6[%or3A_176], %broadcast_in_dim3A_0 masked %eq3A_166 {add = true} : memref<4096xi32, #tpu.memory_space<vmem>>[vector<16xi32>], vector<16xi32>, vector<16xi1>
        %jit3A_177 = arith.constant 0 : i32
        %broadcast_in_dim3A_178 = vector.broadcast %jit3A_177 : i32 to vector<16xi32>
        %select_n3A_179 = arith.select %eq3A_166, %and3A_172, %broadcast_in_dim3A_178 : vector<16xi1>, vector<16xi32>
        %max3A = arith.maxsi %scan3A_155, %select_n3A_179 : vector<16xi32>
        %mul3A_180 = arith.constant 8 : i32
        %mul3A_181 = arith.muli %scan3A_154, %mul3A_180 : i32
        %add3A_182 = arith.constant 1 : i32
        %add3A_183 = arith.addi %mul3A_181, %add3A_182 : i32
        %mul3A_184 = arith.constant 16 : i32
        %mul3A_185 = arith.muli %add3A_183, %mul3A_184 : i32
        %get3A_186 = arith.index_cast %mul3A_185 : i32 to index
        %get3A_187 = tpu.vector_load %arg5[%get3A_186] {strides = array<i32>} : memref<32768xi32, #tpu.memory_space<vmem>>, vector<16xi32>,
        %shift_right_arithmetic3A_188 = arith.constant 8 : i32
        %shift_right_arithmetic3A_189 = vector.broadcast %shift_right_arithmetic3A_188 : i32 to vector<16xi32>
        %shift_right_arithmetic3A_190 = arith.shrsi %get3A_187, %shift_right_arithmetic3A_189 : vector<16xi32>
        %eq3A_191 = vector.broadcast %or3A_93 : i32 to vector<16xi32>
        %eq3A_192 = arith.cmpi eq, %shift_right_arithmetic3A_190, %eq3A_191 : vector<16xi32>
        %shift_right_arithmetic3A_193 = arith.constant 0 : i32
        %shift_right_arithmetic3A_194 = vector.broadcast %shift_right_arithmetic3A_193 : i32 to vector<16xi32>
        %shift_right_arithmetic3A_195 = arith.shrsi %get3A_187, %shift_right_arithmetic3A_194 : vector<16xi32>
        %and3A_196 = arith.constant 255 : i32
        %and3A_197 = vector.broadcast %and3A_196 : i32 to vector<16xi32>
        %and3A_198 = arith.andi %shift_right_arithmetic3A_195, %and3A_197 : vector<16xi32>
        %shift_left3A_199 = arith.constant 4 : i32
        %shift_left3A_200 = vector.broadcast %shift_left3A_199 : i32 to vector<16xi32>
        %shift_left3A_201 = arith.shli %and3A_198, %shift_left3A_200 : vector<16xi32>
        %or3A_202 = arith.ori %shift_left3A_201, %iota3A : vector<16xi32>
        tpu.vector_store_idx %arg6[%or3A_202], %broadcast_in_dim3A_0 masked %eq3A_192 {add = true} : memref<4096xi32, #tpu.memory_space<vmem>>[vector<16xi32>], vector<16xi32>, vector<16xi1>
        %jit3A_203 = arith.constant 0 : i32
        %broadcast_in_dim3A_204 = vector.broadcast %jit3A_203 : i32 to vector<16xi32>
        %select_n3A_205 = arith.select %eq3A_192, %and3A_198, %broadcast_in_dim3A_204 : vector<16xi1>, vector<16xi32>
        %max3A_206 = arith.maxsi %max3A, %select_n3A_205 : vector<16xi32>
        %mul3A_207 = arith.constant 8 : i32
        %mul3A_208 = arith.muli %scan3A_154, %mul3A_207 : i32
        %add3A_209 = arith.constant 2 : i32
        %add3A_210 = arith.addi %mul3A_208, %add3A_209 : i32
        %mul3A_211 = arith.constant 16 : i32
        %mul3A_212 = arith.muli %add3A_210, %mul3A_211 : i32
        %get3A_213 = arith.index_cast %mul3A_212 : i32 to index
        %get3A_214 = tpu.vector_load %arg5[%get3A_213] {strides = array<i32>} : memref<32768xi32, #tpu.memory_space<vmem>>, vector<16xi32>,
        %shift_right_arithmetic3A_215 = arith.constant 8 : i32
        %shift_right_arithmetic3A_216 = vector.broadcast %shift_right_arithmetic3A_215 : i32 to vector<16xi32>
        %shift_right_arithmetic3A_217 = arith.shrsi %get3A_214, %shift_right_arithmetic3A_216 : vector<16xi32>
        %eq3A_218 = vector.broadcast %or3A_93 : i32 to vector<16xi32>
        %eq3A_219 = arith.cmpi eq, %shift_right_arithmetic3A_217, %eq3A_218 : vector<16xi32>
        %shift_right_arithmetic3A_220 = arith.constant 0 : i32
        %shift_right_arithmetic3A_221 = vector.broadcast %shift_right_arithmetic3A_220 : i32 to vector<16xi32>
        %shift_right_arithmetic3A_222 = arith.shrsi %get3A_214, %shift_right_arithmetic3A_221 : vector<16xi32>
        %and3A_223 = arith.constant 255 : i32
        %and3A_224 = vector.broadcast %and3A_223 : i32 to vector<16xi32>
        %and3A_225 = arith.andi %shift_right_arithmetic3A_222, %and3A_224 : vector<16xi32>
        %shift_left3A_226 = arith.constant 4 : i32
        %shift_left3A_227 = vector.broadcast %shift_left3A_226 : i32 to vector<16xi32>
        %shift_left3A_228 = arith.shli %and3A_225, %shift_left3A_227 : vector<16xi32>
        %or3A_229 = arith.ori %shift_left3A_228, %iota3A : vector<16xi32>
        tpu.vector_store_idx %arg6[%or3A_229], %broadcast_in_dim3A_0 masked %eq3A_219 {add = true} : memref<4096xi32, #tpu.memory_space<vmem>>[vector<16xi32>], vector<16xi32>, vector<16xi1>
        %jit3A_230 = arith.constant 0 : i32
        %broadcast_in_dim3A_231 = vector.broadcast %jit3A_230 : i32 to vector<16xi32>
        %select_n3A_232 = arith.select %eq3A_219, %and3A_225, %broadcast_in_dim3A_231 : vector<16xi1>, vector<16xi32>
        %max3A_233 = arith.maxsi %max3A_206, %select_n3A_232 : vector<16xi32>
        %mul3A_234 = arith.constant 8 : i32
        %mul3A_235 = arith.muli %scan3A_154, %mul3A_234 : i32
        %add3A_236 = arith.constant 3 : i32
        %add3A_237 = arith.addi %mul3A_235, %add3A_236 : i32
        %mul3A_238 = arith.constant 16 : i32
        %mul3A_239 = arith.muli %add3A_237, %mul3A_238 : i32
        %get3A_240 = arith.index_cast %mul3A_239 : i32 to index
        %get3A_241 = tpu.vector_load %arg5[%get3A_240] {strides = array<i32>} : memref<32768xi32, #tpu.memory_space<vmem>>, vector<16xi32>,
        %shift_right_arithmetic3A_242 = arith.constant 8 : i32
        %shift_right_arithmetic3A_243 = vector.broadcast %shift_right_arithmetic3A_242 : i32 to vector<16xi32>
        %shift_right_arithmetic3A_244 = arith.shrsi %get3A_241, %shift_right_arithmetic3A_243 : vector<16xi32>
        %eq3A_245 = vector.broadcast %or3A_93 : i32 to vector<16xi32>
        %eq3A_246 = arith.cmpi eq, %shift_right_arithmetic3A_244, %eq3A_245 : vector<16xi32>
        %shift_right_arithmetic3A_247 = arith.constant 0 : i32
        %shift_right_arithmetic3A_248 = vector.broadcast %shift_right_arithmetic3A_247 : i32 to vector<16xi32>
        %shift_right_arithmetic3A_249 = arith.shrsi %get3A_241, %shift_right_arithmetic3A_248 : vector<16xi32>
        %and3A_250 = arith.constant 255 : i32
        %and3A_251 = vector.broadcast %and3A_250 : i32 to vector<16xi32>
        %and3A_252 = arith.andi %shift_right_arithmetic3A_249, %and3A_251 : vector<16xi32>
        %shift_left3A_253 = arith.constant 4 : i32
        %shift_left3A_254 = vector.broadcast %shift_left3A_253 : i32 to vector<16xi32>
        %shift_left3A_255 = arith.shli %and3A_252, %shift_left3A_254 : vector<16xi32>
        %or3A_256 = arith.ori %shift_left3A_255, %iota3A : vector<16xi32>
        tpu.vector_store_idx %arg6[%or3A_256], %broadcast_in_dim3A_0 masked %eq3A_246 {add = true} : memref<4096xi32, #tpu.memory_space<vmem>>[vector<16xi32>], vector<16xi32>, vector<16xi1>
        %jit3A_257 = arith.constant 0 : i32
        %broadcast_in_dim3A_258 = vector.broadcast %jit3A_257 : i32 to vector<16xi32>
        %select_n3A_259 = arith.select %eq3A_246, %and3A_252, %broadcast_in_dim3A_258 : vector<16xi1>, vector<16xi32>
        %max3A_260 = arith.maxsi %max3A_233, %select_n3A_259 : vector<16xi32>
        %mul3A_261 = arith.constant 8 : i32
        %mul3A_262 = arith.muli %scan3A_154, %mul3A_261 : i32
        %add3A_263 = arith.constant 4 : i32
        %add3A_264 = arith.addi %mul3A_262, %add3A_263 : i32
        %mul3A_265 = arith.constant 16 : i32
        %mul3A_266 = arith.muli %add3A_264, %mul3A_265 : i32
        %get3A_267 = arith.index_cast %mul3A_266 : i32 to index
        %get3A_268 = tpu.vector_load %arg5[%get3A_267] {strides = array<i32>} : memref<32768xi32, #tpu.memory_space<vmem>>, vector<16xi32>,
        %shift_right_arithmetic3A_269 = arith.constant 8 : i32
        %shift_right_arithmetic3A_270 = vector.broadcast %shift_right_arithmetic3A_269 : i32 to vector<16xi32>
        %shift_right_arithmetic3A_271 = arith.shrsi %get3A_268, %shift_right_arithmetic3A_270 : vector<16xi32>
        %eq3A_272 = vector.broadcast %or3A_93 : i32 to vector<16xi32>
        %eq3A_273 = arith.cmpi eq, %shift_right_arithmetic3A_271, %eq3A_272 : vector<16xi32>
        %shift_right_arithmetic3A_274 = arith.constant 0 : i32
        %shift_right_arithmetic3A_275 = vector.broadcast %shift_right_arithmetic3A_274 : i32 to vector<16xi32>
        %shift_right_arithmetic3A_276 = arith.shrsi %get3A_268, %shift_right_arithmetic3A_275 : vector<16xi32>
        %and3A_277 = arith.constant 255 : i32
        %and3A_278 = vector.broadcast %and3A_277 : i32 to vector<16xi32>
        %and3A_279 = arith.andi %shift_right_arithmetic3A_276, %and3A_278 : vector<16xi32>
        %shift_left3A_280 = arith.constant 4 : i32
        %shift_left3A_281 = vector.broadcast %shift_left3A_280 : i32 to vector<16xi32>
        %shift_left3A_282 = arith.shli %and3A_279, %shift_left3A_281 : vector<16xi32>
        %or3A_283 = arith.ori %shift_left3A_282, %iota3A : vector<16xi32>
        tpu.vector_store_idx %arg6[%or3A_283], %broadcast_in_dim3A_0 masked %eq3A_273 {add = true} : memref<4096xi32, #tpu.memory_space<vmem>>[vector<16xi32>], vector<16xi32>, vector<16xi1>
        %jit3A_284 = arith.constant 0 : i32
        %broadcast_in_dim3A_285 = vector.broadcast %jit3A_284 : i32 to vector<16xi32>
        %select_n3A_286 = arith.select %eq3A_273, %and3A_279, %broadcast_in_dim3A_285 : vector<16xi1>, vector<16xi32>
        %max3A_287 = arith.maxsi %max3A_260, %select_n3A_286 : vector<16xi32>
        %mul3A_288 = arith.constant 8 : i32
        %mul3A_289 = arith.muli %scan3A_154, %mul3A_288 : i32
        %add3A_290 = arith.constant 5 : i32
        %add3A_291 = arith.addi %mul3A_289, %add3A_290 : i32
        %mul3A_292 = arith.constant 16 : i32
        %mul3A_293 = arith.muli %add3A_291, %mul3A_292 : i32
        %get3A_294 = arith.index_cast %mul3A_293 : i32 to index
        %get3A_295 = tpu.vector_load %arg5[%get3A_294] {strides = array<i32>} : memref<32768xi32, #tpu.memory_space<vmem>>, vector<16xi32>,
        %shift_right_arithmetic3A_296 = arith.constant 8 : i32
        %shift_right_arithmetic3A_297 = vector.broadcast %shift_right_arithmetic3A_296 : i32 to vector<16xi32>
        %shift_right_arithmetic3A_298 = arith.shrsi %get3A_295, %shift_right_arithmetic3A_297 : vector<16xi32>
        %eq3A_299 = vector.broadcast %or3A_93 : i32 to vector<16xi32>
        %eq3A_300 = arith.cmpi eq, %shift_right_arithmetic3A_298, %eq3A_299 : vector<16xi32>
        %shift_right_arithmetic3A_301 = arith.constant 0 : i32
        %shift_right_arithmetic3A_302 = vector.broadcast %shift_right_arithmetic3A_301 : i32 to vector<16xi32>
        %shift_right_arithmetic3A_303 = arith.shrsi %get3A_295, %shift_right_arithmetic3A_302 : vector<16xi32>
        %and3A_304 = arith.constant 255 : i32
        %and3A_305 = vector.broadcast %and3A_304 : i32 to vector<16xi32>
        %and3A_306 = arith.andi %shift_right_arithmetic3A_303, %and3A_305 : vector<16xi32>
        %shift_left3A_307 = arith.constant 4 : i32
        %shift_left3A_308 = vector.broadcast %shift_left3A_307 : i32 to vector<16xi32>
        %shift_left3A_309 = arith.shli %and3A_306, %shift_left3A_308 : vector<16xi32>
        %or3A_310 = arith.ori %shift_left3A_309, %iota3A : vector<16xi32>
        tpu.vector_store_idx %arg6[%or3A_310], %broadcast_in_dim3A_0 masked %eq3A_300 {add = true} : memref<4096xi32, #tpu.memory_space<vmem>>[vector<16xi32>], vector<16xi32>, vector<16xi1>
        %jit3A_311 = arith.constant 0 : i32
        %broadcast_in_dim3A_312 = vector.broadcast %jit3A_311 : i32 to vector<16xi32>
        %select_n3A_313 = arith.select %eq3A_300, %and3A_306, %broadcast_in_dim3A_312 : vector<16xi1>, vector<16xi32>
        %max3A_314 = arith.maxsi %max3A_287, %select_n3A_313 : vector<16xi32>
        %mul3A_315 = arith.constant 8 : i32
        %mul3A_316 = arith.muli %scan3A_154, %mul3A_315 : i32
        %add3A_317 = arith.constant 6 : i32
        %add3A_318 = arith.addi %mul3A_316, %add3A_317 : i32
        %mul3A_319 = arith.constant 16 : i32
        %mul3A_320 = arith.muli %add3A_318, %mul3A_319 : i32
        %get3A_321 = arith.index_cast %mul3A_320 : i32 to index
        %get3A_322 = tpu.vector_load %arg5[%get3A_321] {strides = array<i32>} : memref<32768xi32, #tpu.memory_space<vmem>>, vector<16xi32>,
        %shift_right_arithmetic3A_323 = arith.constant 8 : i32
        %shift_right_arithmetic3A_324 = vector.broadcast %shift_right_arithmetic3A_323 : i32 to vector<16xi32>
        %shift_right_arithmetic3A_325 = arith.shrsi %get3A_322, %shift_right_arithmetic3A_324 : vector<16xi32>
        %eq3A_326 = vector.broadcast %or3A_93 : i32 to vector<16xi32>
        %eq3A_327 = arith.cmpi eq, %shift_right_arithmetic3A_325, %eq3A_326 : vector<16xi32>
        %shift_right_arithmetic3A_328 = arith.constant 0 : i32
        %shift_right_arithmetic3A_329 = vector.broadcast %shift_right_arithmetic3A_328 : i32 to vector<16xi32>
        %shift_right_arithmetic3A_330 = arith.shrsi %get3A_322, %shift_right_arithmetic3A_329 : vector<16xi32>
        %and3A_331 = arith.constant 255 : i32
        %and3A_332 = vector.broadcast %and3A_331 : i32 to vector<16xi32>
        %and3A_333 = arith.andi %shift_right_arithmetic3A_330, %and3A_332 : vector<16xi32>
        %shift_left3A_334 = arith.constant 4 : i32
        %shift_left3A_335 = vector.broadcast %shift_left3A_334 : i32 to vector<16xi32>
        %shift_left3A_336 = arith.shli %and3A_333, %shift_left3A_335 : vector<16xi32>
        %or3A_337 = arith.ori %shift_left3A_336, %iota3A : vector<16xi32>
        tpu.vector_store_idx %arg6[%or3A_337], %broadcast_in_dim3A_0 masked %eq3A_327 {add = true} : memref<4096xi32, #tpu.memory_space<vmem>>[vector<16xi32>], vector<16xi32>, vector<16xi1>
        %jit3A_338 = arith.constant 0 : i32
        %broadcast_in_dim3A_339 = vector.broadcast %jit3A_338 : i32 to vector<16xi32>
        %select_n3A_340 = arith.select %eq3A_327, %and3A_333, %broadcast_in_dim3A_339 : vector<16xi1>, vector<16xi32>
        %max3A_341 = arith.maxsi %max3A_314, %select_n3A_340 : vector<16xi32>
        %mul3A_342 = arith.constant 8 : i32
        %mul3A_343 = arith.muli %scan3A_154, %mul3A_342 : i32
        %add3A_344 = arith.constant 7 : i32
        %add3A_345 = arith.addi %mul3A_343, %add3A_344 : i32
        %mul3A_346 = arith.constant 16 : i32
        %mul3A_347 = arith.muli %add3A_345, %mul3A_346 : i32
        %get3A_348 = arith.index_cast %mul3A_347 : i32 to index
        %get3A_349 = tpu.vector_load %arg5[%get3A_348] {strides = array<i32>} : memref<32768xi32, #tpu.memory_space<vmem>>, vector<16xi32>,
        %shift_right_arithmetic3A_350 = arith.constant 8 : i32
        %shift_right_arithmetic3A_351 = vector.broadcast %shift_right_arithmetic3A_350 : i32 to vector<16xi32>
        %shift_right_arithmetic3A_352 = arith.shrsi %get3A_349, %shift_right_arithmetic3A_351 : vector<16xi32>
        %eq3A_353 = vector.broadcast %or3A_93 : i32 to vector<16xi32>
        %eq3A_354 = arith.cmpi eq, %shift_right_arithmetic3A_352, %eq3A_353 : vector<16xi32>
        %shift_right_arithmetic3A_355 = arith.constant 0 : i32
        %shift_right_arithmetic3A_356 = vector.broadcast %shift_right_arithmetic3A_355 : i32 to vector<16xi32>
        %shift_right_arithmetic3A_357 = arith.shrsi %get3A_349, %shift_right_arithmetic3A_356 : vector<16xi32>
        %and3A_358 = arith.constant 255 : i32
        %and3A_359 = vector.broadcast %and3A_358 : i32 to vector<16xi32>
        %and3A_360 = arith.andi %shift_right_arithmetic3A_357, %and3A_359 : vector<16xi32>
        %shift_left3A_361 = arith.constant 4 : i32
        %shift_left3A_362 = vector.broadcast %shift_left3A_361 : i32 to vector<16xi32>
        %shift_left3A_363 = arith.shli %and3A_360, %shift_left3A_362 : vector<16xi32>
        %or3A_364 = arith.ori %shift_left3A_363, %iota3A : vector<16xi32>
        tpu.vector_store_idx %arg6[%or3A_364], %broadcast_in_dim3A_0 masked %eq3A_354 {add = true} : memref<4096xi32, #tpu.memory_space<vmem>>[vector<16xi32>], vector<16xi32>, vector<16xi1>
        %jit3A_365 = arith.constant 0 : i32
        %broadcast_in_dim3A_366 = vector.broadcast %jit3A_365 : i32 to vector<16xi32>
        %select_n3A_367 = arith.select %eq3A_354, %and3A_360, %broadcast_in_dim3A_366 : vector<16xi1>, vector<16xi32>
        %max3A_368 = arith.maxsi %max3A_341, %select_n3A_367 : vector<16xi32>
        scf.yield %max3A_368 : vector<16xi32>
      }
      %scan3A_106 = arith.constant 256 : i32
      %reduce_max3A_107 = arith.constant true
      %reduce_max3A_108 = vector.broadcast %reduce_max3A_107 : i1 to vector<16xi1>
      %reduce_max3A_109 = arith.constant -2147483648 : i32
      %reduce_max3A_110 = vector.broadcast %reduce_max3A_109 : i32 to vector<16xi32>
      %reduce_max3A_111 = arith.xori %scan3A_105, %reduce_max3A_110 : vector<16xi32>
      %reduce_max3A_112 = tpu.scan <max>, %reduce_max3A_111 masked %reduce_max3A_108 : vector<16xi32>, vector<16xi1> -> vector<16xi32>
      %reduce_max3A_113 = arith.xori %reduce_max3A_112, %reduce_max3A_110 : vector<16xi32>
      %reduce_max3A_114 = vector.extract %reduce_max3A_113[15] : i32 from vector<16xi32>
      %while3A_115 = arith.constant 0 : i32
      %while3A_116 = arith.constant false
      %while3A_117:3 = scf.while (%while3A_154 = %reduce_max3A_114, %while3A_155 = %while3A_115, %while3A_156 = %while3A_116) : (i32, i32, i1) -> (i32, i32, i1) {
        %not3A = arith.constant true
        %not3A_157 = arith.xori %while3A_156, %not3A : i1
        scf.condition(%not3A_157) %while3A_154, %while3A_155, %while3A_156 : i32, i32, i1
      } do {
      ^bb0(%while3A_154: i32, %while3A_155: i32, %while3A_156: i1):
        %mul3A_157 = arith.constant 16 : i32
        %mul3A_158 = arith.muli %while3A_154, %mul3A_157 : i32
        %get3A = arith.index_cast %mul3A_158 : i32 to index
        %get3A_159 = tpu.vector_load %arg6[%get3A] {strides = array<i32>} : memref<4096xi32, #tpu.memory_space<vmem>>, vector<16xi32>,
        %reduce_sum3A = arith.constant true
        %reduce_sum3A_160 = vector.broadcast %reduce_sum3A : i1 to vector<16xi1>
        %reduce_sum3A_161 = tpu.scan <sum>, %get3A_159 masked %reduce_sum3A_160 : vector<16xi32>, vector<16xi1> -> vector<16xi32>
        %reduce_sum3A_162 = vector.extract %reduce_sum3A_161[15] : i32 from vector<16xi32>
        %add3A_163 = arith.addi %while3A_155, %reduce_sum3A_162 : i32
        %ge3A = arith.cmpi sge, %add3A_163, %sub3A_90 : i32
        %sub3A_164 = arith.constant 1 : i32
        %sub3A_165 = arith.subi %while3A_154, %sub3A_164 : i32
        %select_n3A_166 = arith.select %ge3A, %while3A_154, %sub3A_165 : i32
        %add3A_167 = arith.addi %while3A_155, %reduce_sum3A_162 : i32
        %select_n3A_168 = arith.select %ge3A, %while3A_155, %add3A_167 : i32
        scf.yield %select_n3A_166, %select_n3A_168, %ge3A : i32, i32, i1
      }
      %sub3A_118 = arith.subi %sub3A_90, %while3A_117#1 : i32
      %shift_left3A_119 = arith.constant 8 : i32
      %shift_left3A_120 = arith.shli %or3A_93, %shift_left3A_119 : i32
      %or3A_121 = arith.ori %shift_left3A_120, %while3A_117#0 : i32
      %jit3A = arith.constant 16 : i32
      %eq3A = arith.constant 0 : i32
      %eq3A_122 = arith.cmpi eq, %jit3A, %eq3A : i32
      %jit3A_123 = arith.constant 1 : i32
      %select_n3A = arith.select %eq3A_122, %jit3A_123, %jit3A : i32
      %rem3A = arith.remsi %scan3A_11, %select_n3A : i32
      %ne3A = arith.constant 0 : i32
      %ne3A_124 = arith.cmpi ne, %rem3A, %ne3A : i32
      %lt3A = arith.constant 0 : i32
      %lt3A_125 = arith.cmpi slt, %rem3A, %lt3A : i32
      %lt3A_126 = arith.constant 0 : i32
      %lt3A_127 = arith.cmpi slt, %select_n3A, %lt3A_126 : i32
      %ne3A_128 = arith.xori %lt3A_125, %lt3A_127 : i1
      %and3A = arith.andi %ne3A_128, %ne3A_124 : i1
      %add3A_129 = arith.addi %rem3A, %select_n3A : i32
      %select_n3A_130 = arith.select %and3A, %add3A_129, %rem3A : i32
      %eq3A_131 = vector.broadcast %select_n3A_130 : i32 to vector<16xi32>
      %eq3A_132 = arith.cmpi eq, %iota3A, %eq3A_131 : vector<16xi32>
      %broadcast_in_dim3A_133 = vector.broadcast %or3A_121 : i32 to vector<16xi32>
      %select_n3A_134 = arith.select %eq3A_132, %broadcast_in_dim3A_133, %scan3A_12 : vector<16xi1>, vector<16xi32>
      %jit3A_135 = arith.constant 16 : i32
      %eq3A_136 = arith.constant 0 : i32
      %eq3A_137 = arith.cmpi eq, %jit3A_135, %eq3A_136 : i32
      %jit3A_138 = arith.constant 1 : i32
      %select_n3A_139 = arith.select %eq3A_137, %jit3A_138, %jit3A_135 : i32
      %rem3A_140 = arith.remsi %scan3A_11, %select_n3A_139 : i32
      %ne3A_141 = arith.constant 0 : i32
      %ne3A_142 = arith.cmpi ne, %rem3A_140, %ne3A_141 : i32
      %lt3A_143 = arith.constant 0 : i32
      %lt3A_144 = arith.cmpi slt, %rem3A_140, %lt3A_143 : i32
      %lt3A_145 = arith.constant 0 : i32
      %lt3A_146 = arith.cmpi slt, %select_n3A_139, %lt3A_145 : i32
      %ne3A_147 = arith.xori %lt3A_144, %lt3A_146 : i1
      %and3A_148 = arith.andi %ne3A_147, %ne3A_142 : i1
      %add3A_149 = arith.addi %rem3A_140, %select_n3A_139 : i32
      %select_n3A_150 = arith.select %and3A_148, %add3A_149, %rem3A_140 : i32
      %eq3A_151 = arith.constant 15 : i32
      %eq3A_152 = arith.cmpi eq, %select_n3A_150, %eq3A_151 : i32
      %convert_element_type3A = arith.extui %eq3A_152 : i1 to i32
      %cond3A = arith.constant 0 : i32
      %cond3A_153 = arith.cmpi ne, %convert_element_type3A, %cond3A : i32
      scf.if %cond3A_153 {
        %jit3A_154 = arith.constant 16 : i32
        %div3A = arith.divsi %scan3A_11, %jit3A_154 : i32
        %sign3A = arith.constant 0 : i32
        %sign3A_155 = arith.cmpi sgt, %scan3A_11, %sign3A : i32
        %sign3A_156 = arith.extui %sign3A_155 : i1 to i32
        %sign3A_157 = arith.constant 0 : i32
        %sign3A_158 = arith.cmpi slt, %scan3A_11, %sign3A_157 : i32
        %sign3A_159 = arith.extui %sign3A_158 : i1 to i32
        %sign3A_160 = arith.subi %sign3A_156, %sign3A_159 : i32
        %sign3A_161 = arith.constant 0 : i32
        %sign3A_162 = arith.cmpi sgt, %jit3A_154, %sign3A_161 : i32
        %sign3A_163 = arith.extui %sign3A_162 : i1 to i32
        %sign3A_164 = arith.constant 0 : i32
        %sign3A_165 = arith.cmpi slt, %jit3A_154, %sign3A_164 : i32
        %sign3A_166 = arith.extui %sign3A_165 : i1 to i32
        %sign3A_167 = arith.subi %sign3A_163, %sign3A_166 : i32
        %ne3A_168 = arith.cmpi ne, %sign3A_160, %sign3A_167 : i32
        %rem3A_169 = arith.remsi %scan3A_11, %jit3A_154 : i32
        %ne3A_170 = arith.constant 0 : i32
        %ne3A_171 = arith.cmpi ne, %rem3A_169, %ne3A_170 : i32
        %and3A_172 = arith.andi %ne3A_168, %ne3A_171 : i1
        %sub3A_173 = arith.constant 1 : i32
        %sub3A_174 = arith.subi %div3A, %sub3A_173 : i32
        %select_n3A_175 = arith.select %and3A_172, %sub3A_174, %div3A : i32
        %mul3A_176 = arith.constant 16 : i32
        %mul3A_177 = arith.muli %select_n3A_175, %mul3A_176 : i32
        %swap3A = arith.index_cast %mul3A_177 : i32 to index
        %swap3A_178 = tpu.vector_load %arg7[%swap3A] {strides = array<i32>} : memref<64xi32, #tpu.memory_space<vmem>>, vector<16xi32>,
        tpu.vector_store %arg7[%swap3A], %select_n3A_134 {strides = array<i32>} : memref<64xi32, #tpu.memory_space<vmem>>, vector<16xi32>,
      } else {
      }
      scf.yield %select_n3A_134 : vector<16xi32>
    }
    %scan3A_10 = arith.constant 64 : i32
    "tpu.region"() ({
      %run_scoped3A = tpu.sem_alloc : memref<!tpu.dma_semaphore, #tpu.memory_space<semaphore_mem>>
      %dma_start3A = tpu.memref_slice %arg3[%mul3A_5] : memref<2048xi32, #tpu.memory_space<hbm>> -> memref<64xi32, #tpu.memory_space<hbm>>
      %dma_start3A_11 = tpu.memref_slice %arg3[%mul3A_5] : memref<2048xi32, #tpu.memory_space<hbm>> -> memref<64xi32, #tpu.memory_space<hbm>>
      tpu.enqueue_dma source(%arg7 : memref<64xi32, #tpu.memory_space<vmem>>) target(%dma_start3A_11 : memref<64xi32, #tpu.memory_space<hbm>>) target_semaphore(%run_scoped3A : memref<!tpu.dma_semaphore, #tpu.memory_space<semaphore_mem>>)
      %dma_wait3A = tpu.memref_slice %arg3[%mul3A_5] : memref<2048xi32, #tpu.memory_space<hbm>> -> memref<64xi32, #tpu.memory_space<hbm>>
      %dma_wait3A_12 = tpu.memref_slice %arg3[%mul3A_5] : memref<2048xi32, #tpu.memory_space<hbm>> -> memref<64xi32, #tpu.memory_space<hbm>>
      tpu.wait_dma2 semaphore(%run_scoped3A : memref<!tpu.dma_semaphore, #tpu.memory_space<semaphore_mem>>) src(%arg7 : memref<64xi32, #tpu.memory_space<vmem>>) dst(%dma_wait3A_12 : memref<64xi32, #tpu.memory_space<hbm>>)
      tpu.yield
    }) : () -> ()
    return
  }
}

module attributes {stable_mosaic.version = 14 : i64} {
  func.func @_loss_block_kernel(%arg0: i32, %arg1: memref<8x32768xf32, #tpu.memory_space<vmem>>, %arg2: memref<8x32768xf32, #tpu.memory_space<vmem>>, %arg3: memref<1x8x1xi32, #tpu.memory_space<vmem>>, %arg4: memref<1x8x1xi32, #tpu.memory_space<vmem>>, %arg5: memref<1x8x1xi32, #tpu.memory_space<vmem>>, %arg6: memref<1x1xf32, #tpu.memory_space<vmem>>, %arg7: memref<1x1xf32, #tpu.memory_space<vmem>>, %arg8: memref<1x1xf32, #tpu.memory_space<vmem>>, %arg9: memref<1x1xf32, #tpu.memory_space<vmem>>) attributes {dimension_semantics = [#tpu.dimension_semantics<arbitrary>], iteration_bounds = array<i64: 256>, scalar_prefetch = 0 : i64, scratch_operands = 0 : i64, tpu.core_type = #tpu.core_type<tc>, window_params = [{transform_indices = @transform_0, window_bounds = array<i64: 8, 32768>}, {transform_indices = @transform_1, window_bounds = array<i64: 8, 32768>}, {transform_indices = @transform_2, window_bounds = array<i64: 1, 8, 1>}, {transform_indices = @transform_3, window_bounds = array<i64: 1, 8, 1>}, {transform_indices = @transform_4, window_bounds = array<i64: 1, 8, 1>}, {pipeline_mode = #tpu.pipeline_mode<synchronous>, transform_indices = @transform_5, window_bounds = array<i64: 1, 1>}, {pipeline_mode = #tpu.pipeline_mode<synchronous>, transform_indices = @transform_6, window_bounds = array<i64: 1, 1>}, {pipeline_mode = #tpu.pipeline_mode<synchronous>, transform_indices = @transform_7, window_bounds = array<i64: 1, 1>}, {pipeline_mode = #tpu.pipeline_mode<synchronous>, transform_indices = @transform_8, window_bounds = array<i64: 1, 1>}]} {
    %get3A = arith.constant 0 : index
    %get3A_0 = arith.constant 0 : index
    %get3A_1 = vector.load %arg1[%get3A, %get3A_0] : memref<8x32768xf32, #tpu.memory_space<vmem>>, vector<8x32768xf32>
    %get3A_2 = arith.constant 0 : index
    %get3A_3 = arith.constant 0 : index
    %get3A_4 = vector.load %arg2[%get3A_2, %get3A_3] : memref<8x32768xf32, #tpu.memory_space<vmem>>, vector<8x32768xf32>
    %get3A_5 = arith.constant 0 : index
    %get3A_6 = arith.constant 0 : index
    %get3A_7 = arith.constant 0 : index
    %get3A_8 = vector.load %arg3[%get3A_5, %get3A_6, %get3A_7] : memref<1x8x1xi32, #tpu.memory_space<vmem>>, vector<1x8x1xi32>
    %get3A_9 = vector.shape_cast %get3A_8 : vector<1x8x1xi32> to vector<8x1xi32>
    %get3A_10 = arith.constant 0 : index
    %get3A_11 = arith.constant 0 : index
    %get3A_12 = arith.constant 0 : index
    %get3A_13 = vector.load %arg4[%get3A_10, %get3A_11, %get3A_12] : memref<1x8x1xi32, #tpu.memory_space<vmem>>, vector<1x8x1xi32>
    %get3A_14 = vector.shape_cast %get3A_13 : vector<1x8x1xi32> to vector<8x1xi32>
    %get3A_15 = arith.constant 0 : index
    %get3A_16 = arith.constant 0 : index
    %get3A_17 = arith.constant 0 : index
    %get3A_18 = vector.load %arg5[%get3A_15, %get3A_16, %get3A_17] : memref<1x8x1xi32, #tpu.memory_space<vmem>>, vector<1x8x1xi32>
    %get3A_19 = vector.shape_cast %get3A_18 : vector<1x8x1xi32> to vector<8x1xi32>
    %mul3A = arith.constant 8 : i32
    %mul3A_20 = arith.muli %arg0, %mul3A : i32
    %iota3A = tpu.iota {dimensions = array<i32: 0>} : vector<8x1xi32>
    %add3A = vector.broadcast %mul3A_20 : i32 to vector<8x1xi32>
    %add3A_21 = arith.addi %add3A, %iota3A : vector<8x1xi32>
    %lt3A = arith.constant 2047 : i32
    %lt3A_22 = vector.broadcast %lt3A : i32 to vector<8x1xi32>
    %lt3A_23 = arith.cmpi slt, %add3A_21, %lt3A_22 : vector<8x1xi32>
    %reduce_max3A = arith.constant dense<0xFF800000> : vector<8xf32>
    %reduce_max3A_24 = vector.multi_reduction <maximumf>, %get3A_1, %reduce_max3A [1] : vector<8x32768xf32> to vector<8xf32>
    %broadcast_in_dim3A = vector.shape_cast %reduce_max3A_24 : vector<8xf32> to vector<8x1xf32>
    %sub3A = vector.broadcast %broadcast_in_dim3A : vector<8x1xf32> to vector<8x32768xf32>
    %sub3A_25 = arith.subf %get3A_1, %sub3A : vector<8x32768xf32>
    %mul3A_26 = arith.constant 5.000000e-01 : f32
    %mul3A_27 = vector.broadcast %mul3A_26 : f32 to vector<8x32768xf32>
    %mul3A_28 = arith.mulf %sub3A_25, %mul3A_27 : vector<8x32768xf32>
    %exp3A = math.exp %mul3A_28 : vector<8x32768xf32>
    %mul3A_29 = arith.mulf %exp3A, %exp3A : vector<8x32768xf32>
    %reduce_sum3A = arith.constant dense<0.000000e+00> : vector<8xf32>
    %reduce_sum3A_30 = vector.multi_reduction <add>, %exp3A, %reduce_sum3A [1] : vector<8x32768xf32> to vector<8xf32>
    %broadcast_in_dim3A_31 = vector.shape_cast %reduce_sum3A_30 : vector<8xf32> to vector<8x1xf32>
    %log3A = math.log %broadcast_in_dim3A_31 : vector<8x1xf32>
    %reduce_sum3A_32 = arith.constant dense<0.000000e+00> : vector<8xf32>
    %reduce_sum3A_33 = vector.multi_reduction <add>, %mul3A_29, %reduce_sum3A_32 [1] : vector<8x32768xf32> to vector<8xf32>
    %broadcast_in_dim3A_34 = vector.shape_cast %reduce_sum3A_33 : vector<8xf32> to vector<8x1xf32>
    %log3A_35 = math.log %broadcast_in_dim3A_34 : vector<8x1xf32>
    %iota3A_36 = tpu.iota {dimensions = array<i32: 1>} : vector<8x32768xi32>
    %eq3A = vector.broadcast %get3A_9 : vector<8x1xi32> to vector<8x32768xi32>
    %eq3A_37 = arith.cmpi eq, %iota3A_36, %eq3A : vector<8x32768xi32>
    %jit3A = arith.constant 0.000000e+00 : f32
    %broadcast_in_dim3A_38 = vector.broadcast %jit3A : f32 to vector<8x32768xf32>
    %select_n3A = arith.select %eq3A_37, %get3A_1, %broadcast_in_dim3A_38 : vector<8x32768xi1>, vector<8x32768xf32>
    %reduce_sum3A_39 = arith.constant dense<0.000000e+00> : vector<8xf32>
    %reduce_sum3A_40 = vector.multi_reduction <add>, %select_n3A, %reduce_sum3A_39 [1] : vector<8x32768xf32> to vector<8xf32>
    %broadcast_in_dim3A_41 = vector.shape_cast %reduce_sum3A_40 : vector<8xf32> to vector<8x1xf32>
    %sub3A_42 = arith.subf %broadcast_in_dim3A_41, %broadcast_in_dim3A : vector<8x1xf32>
    %sub3A_43 = arith.subf %sub3A_42, %log3A_35 : vector<8x1xf32>
    %neg3A = arith.constant 0.000000e+00 : f32
    %neg3A_44 = vector.broadcast %neg3A : f32 to vector<8x1xf32>
    %neg3A_45 = arith.subf %neg3A_44, %sub3A_43 : vector<8x1xf32>
    %ne3A = arith.constant 0 : i32
    %ne3A_46 = vector.broadcast %ne3A : i32 to vector<8x1xi32>
    %ne3A_47 = arith.cmpi ne, %get3A_9, %ne3A_46 : vector<8x1xi32>
    %and3A = arith.andi %ne3A_47, %lt3A_23 : vector<8x1xi1>
    %jit3A_48 = arith.constant 0.000000e+00 : f32
    %broadcast_in_dim3A_49 = vector.broadcast %jit3A_48 : f32 to vector<8x1xf32>
    %select_n3A_50 = arith.select %and3A, %neg3A_45, %broadcast_in_dim3A_49 : vector<8x1xi1>, vector<8x1xf32>
    %reduce_sum3A_51 = vector.shape_cast %select_n3A_50 : vector<8x1xf32> to vector<1x8x1xf32>
    %reduce_sum3A_52 = arith.constant dense<0.000000e+00> : vector<1xf32>
    %reduce_sum3A_53 = vector.multi_reduction <add>, %reduce_sum3A_51, %reduce_sum3A_52 [1, 2] : vector<1x8x1xf32> to vector<1xf32>
    %reduce_sum3A_54 = vector.shape_cast %reduce_sum3A_53 : vector<1xf32> to vector<1x1x1xf32>
    %reduce_sum3A_55 = vector.extract %reduce_sum3A_54[0, 0, 0] : f32 from vector<1x1x1xf32>
    %convert_element_type3A = arith.extui %and3A : vector<8x1xi1> to vector<8x1xi32>
    %convert_element_type3A_56 = arith.sitofp %convert_element_type3A : vector<8x1xi32> to vector<8x1xf32>
    %reduce_sum3A_57 = vector.shape_cast %convert_element_type3A_56 : vector<8x1xf32> to vector<1x8x1xf32>
    %reduce_sum3A_58 = arith.constant dense<0.000000e+00> : vector<1xf32>
    %reduce_sum3A_59 = vector.multi_reduction <add>, %reduce_sum3A_57, %reduce_sum3A_58 [1, 2] : vector<1x8x1xf32> to vector<1xf32>
    %reduce_sum3A_60 = vector.shape_cast %reduce_sum3A_59 : vector<1xf32> to vector<1x1x1xf32>
    %reduce_sum3A_61 = vector.extract %reduce_sum3A_60[0, 0, 0] : f32 from vector<1x1x1xf32>
    %bitcast_convert_type3A = tpu.bitcast %get3A_4 : vector<8x32768xf32> -> vector<8x32768xi32>
    %shift_right_arithmetic3A = arith.constant 31 : i32
    %shift_right_arithmetic3A_62 = vector.broadcast %shift_right_arithmetic3A : i32 to vector<8x32768xi32>
    %shift_right_arithmetic3A_63 = arith.shrsi %bitcast_convert_type3A, %shift_right_arithmetic3A_62 : vector<8x32768xi32>
    %and3A_64 = arith.constant 2147483647 : i32
    %and3A_65 = vector.broadcast %and3A_64 : i32 to vector<8x32768xi32>
    %and3A_66 = arith.andi %shift_right_arithmetic3A_63, %and3A_65 : vector<8x32768xi32>
    %xor3A = arith.xori %bitcast_convert_type3A, %and3A_66 : vector<8x32768xi32>
    %ge3A = vector.broadcast %get3A_19 : vector<8x1xi32> to vector<8x32768xi32>
    %ge3A_67 = arith.cmpi sge, %xor3A, %ge3A : vector<8x32768xi32>
    %reduce_max3A_68 = arith.constant dense<0xFF800000> : vector<8xf32>
    %reduce_max3A_69 = vector.multi_reduction <maximumf>, %get3A_4, %reduce_max3A_68 [1] : vector<8x32768xf32> to vector<8xf32>
    %broadcast_in_dim3A_70 = vector.shape_cast %reduce_max3A_69 : vector<8xf32> to vector<8x1xf32>
    %sub3A_71 = vector.broadcast %broadcast_in_dim3A_70 : vector<8x1xf32> to vector<8x32768xf32>
    %sub3A_72 = arith.subf %get3A_4, %sub3A_71 : vector<8x32768xf32>
    %mul3A_73 = arith.constant 5.000000e-01 : f32
    %mul3A_74 = vector.broadcast %mul3A_73 : f32 to vector<8x32768xf32>
    %mul3A_75 = arith.mulf %sub3A_72, %mul3A_74 : vector<8x32768xf32>
    %exp3A_76 = math.exp %mul3A_75 : vector<8x32768xf32>
    %jit3A_77 = arith.constant 0.000000e+00 : f32
    %broadcast_in_dim3A_78 = vector.broadcast %jit3A_77 : f32 to vector<8x32768xf32>
    %select_n3A_79 = arith.select %ge3A_67, %exp3A_76, %broadcast_in_dim3A_78 : vector<8x32768xi1>, vector<8x32768xf32>
    %reduce_sum3A_80 = arith.constant dense<0.000000e+00> : vector<8xf32>
    %reduce_sum3A_81 = vector.multi_reduction <add>, %select_n3A_79, %reduce_sum3A_80 [1] : vector<8x32768xf32> to vector<8xf32>
    %broadcast_in_dim3A_82 = vector.shape_cast %reduce_sum3A_81 : vector<8xf32> to vector<8x1xf32>
    %log3A_83 = math.log %broadcast_in_dim3A_82 : vector<8x1xf32>
    %mul3A_84 = arith.constant 5.000000e-01 : f32
    %mul3A_85 = vector.broadcast %mul3A_84 : f32 to vector<8x32768xf32>
    %mul3A_86 = arith.mulf %sub3A_25, %mul3A_85 : vector<8x32768xf32>
    %sub3A_87 = vector.broadcast %log3A : vector<8x1xf32> to vector<8x32768xf32>
    %sub3A_88 = arith.subf %mul3A_86, %sub3A_87 : vector<8x32768xf32>
    %sub3A_89 = vector.broadcast %log3A_83 : vector<8x1xf32> to vector<8x32768xf32>
    %sub3A_90 = arith.subf %mul3A_75, %sub3A_89 : vector<8x32768xf32>
    %sub3A_91 = arith.subf %sub3A_90, %sub3A_88 : vector<8x32768xf32>
    %mul3A_92 = arith.mulf %select_n3A_79, %sub3A_91 : vector<8x32768xf32>
    %jit3A_93 = arith.constant 0.000000e+00 : f32
    %broadcast_in_dim3A_94 = vector.broadcast %jit3A_93 : f32 to vector<8x32768xf32>
    %select_n3A_95 = arith.select %ge3A_67, %mul3A_92, %broadcast_in_dim3A_94 : vector<8x32768xi1>, vector<8x32768xf32>
    %reduce_sum3A_96 = arith.constant dense<0.000000e+00> : vector<8xf32>
    %reduce_sum3A_97 = vector.multi_reduction <add>, %select_n3A_95, %reduce_sum3A_96 [1] : vector<8x32768xf32> to vector<8xf32>
    %broadcast_in_dim3A_98 = vector.shape_cast %reduce_sum3A_97 : vector<8xf32> to vector<8x1xf32>
    %div3A = arith.divf %broadcast_in_dim3A_98, %broadcast_in_dim3A_82 : vector<8x1xf32>
    %ne3A_99 = arith.constant 0 : i32
    %ne3A_100 = vector.broadcast %ne3A_99 : i32 to vector<8x1xi32>
    %ne3A_101 = arith.cmpi ne, %get3A_14, %ne3A_100 : vector<8x1xi32>
    %and3A_102 = arith.andi %ne3A_101, %lt3A_23 : vector<8x1xi1>
    %jit3A_103 = arith.constant 0.000000e+00 : f32
    %broadcast_in_dim3A_104 = vector.broadcast %jit3A_103 : f32 to vector<8x1xf32>
    %select_n3A_105 = arith.select %and3A_102, %div3A, %broadcast_in_dim3A_104 : vector<8x1xi1>, vector<8x1xf32>
    %reduce_sum3A_106 = vector.shape_cast %select_n3A_105 : vector<8x1xf32> to vector<1x8x1xf32>
    %reduce_sum3A_107 = arith.constant dense<0.000000e+00> : vector<1xf32>
    %reduce_sum3A_108 = vector.multi_reduction <add>, %reduce_sum3A_106, %reduce_sum3A_107 [1, 2] : vector<1x8x1xf32> to vector<1xf32>
    %reduce_sum3A_109 = vector.shape_cast %reduce_sum3A_108 : vector<1xf32> to vector<1x1x1xf32>
    %reduce_sum3A_110 = vector.extract %reduce_sum3A_109[0, 0, 0] : f32 from vector<1x1x1xf32>
    %convert_element_type3A_111 = arith.extui %and3A_102 : vector<8x1xi1> to vector<8x1xi32>
    %convert_element_type3A_112 = arith.sitofp %convert_element_type3A_111 : vector<8x1xi32> to vector<8x1xf32>
    %reduce_sum3A_113 = vector.shape_cast %convert_element_type3A_112 : vector<8x1xf32> to vector<1x8x1xf32>
    %reduce_sum3A_114 = arith.constant dense<0.000000e+00> : vector<1xf32>
    %reduce_sum3A_115 = vector.multi_reduction <add>, %reduce_sum3A_113, %reduce_sum3A_114 [1, 2] : vector<1x8x1xf32> to vector<1xf32>
    %reduce_sum3A_116 = vector.shape_cast %reduce_sum3A_115 : vector<1xf32> to vector<1x1x1xf32>
    %reduce_sum3A_117 = vector.extract %reduce_sum3A_116[0, 0, 0] : f32 from vector<1x1x1xf32>
    %broadcast_in_dim3A_118 = arith.constant 0.000000e+00 : f32
    %broadcast_in_dim3A_119 = vector.broadcast %broadcast_in_dim3A_118 : f32 to vector<1x1xf32>
    %eq3A_120 = arith.constant 0 : i32
    %eq3A_121 = arith.cmpi eq, %arg0, %eq3A_120 : i32
    %convert_element_type3A_122 = arith.extui %eq3A_121 : i1 to i32
    %cond3A = arith.constant 0 : i32
    %cond3A_123 = arith.cmpi ne, %convert_element_type3A_122, %cond3A : i32
    scf.if %cond3A_123 {
      %swap3A_155 = arith.constant 0 : index
      %swap3A_156 = arith.constant 0 : index
      %swap3A_157 = vector.load %arg6[%swap3A_155, %swap3A_156] : memref<1x1xf32, #tpu.memory_space<vmem>>, vector<1x1xf32>
      tpu.vector_store %arg6[%swap3A_155, %swap3A_156], %broadcast_in_dim3A_119 {strides = array<i32>} : memref<1x1xf32, #tpu.memory_space<vmem>>, vector<1x1xf32>,
      %swap3A_158 = arith.constant 0 : index
      %swap3A_159 = arith.constant 0 : index
      %swap3A_160 = vector.load %arg7[%swap3A_158, %swap3A_159] : memref<1x1xf32, #tpu.memory_space<vmem>>, vector<1x1xf32>
      tpu.vector_store %arg7[%swap3A_158, %swap3A_159], %broadcast_in_dim3A_119 {strides = array<i32>} : memref<1x1xf32, #tpu.memory_space<vmem>>, vector<1x1xf32>,
      %swap3A_161 = arith.constant 0 : index
      %swap3A_162 = arith.constant 0 : index
      %swap3A_163 = vector.load %arg8[%swap3A_161, %swap3A_162] : memref<1x1xf32, #tpu.memory_space<vmem>>, vector<1x1xf32>
      tpu.vector_store %arg8[%swap3A_161, %swap3A_162], %broadcast_in_dim3A_119 {strides = array<i32>} : memref<1x1xf32, #tpu.memory_space<vmem>>, vector<1x1xf32>,
      %swap3A_164 = arith.constant 0 : index
      %swap3A_165 = arith.constant 0 : index
      %swap3A_166 = vector.load %arg9[%swap3A_164, %swap3A_165] : memref<1x1xf32, #tpu.memory_space<vmem>>, vector<1x1xf32>
      tpu.vector_store %arg9[%swap3A_164, %swap3A_165], %broadcast_in_dim3A_119 {strides = array<i32>} : memref<1x1xf32, #tpu.memory_space<vmem>>, vector<1x1xf32>,
    } else {
    }
    %get3A_124 = arith.constant 0 : index
    %get3A_125 = arith.constant 0 : index
    %get3A_126 = vector.load %arg6[%get3A_124, %get3A_125] : memref<1x1xf32, #tpu.memory_space<vmem>>, vector<1x1xf32>
    %add3A_127 = vector.broadcast %reduce_sum3A_110 : f32 to vector<1x1xf32>
    %add3A_128 = arith.addf %get3A_126, %add3A_127 : vector<1x1xf32>
    %swap3A = arith.constant 0 : index
    %swap3A_129 = arith.constant 0 : index
    %swap3A_130 = vector.load %arg6[%swap3A, %swap3A_129] : memref<1x1xf32, #tpu.memory_space<vmem>>, vector<1x1xf32>
    tpu.vector_store %arg6[%swap3A, %swap3A_129], %add3A_128 {strides = array<i32>} : memref<1x1xf32, #tpu.memory_space<vmem>>, vector<1x1xf32>,
    %get3A_131 = arith.constant 0 : index
    %get3A_132 = arith.constant 0 : index
    %get3A_133 = vector.load %arg7[%get3A_131, %get3A_132] : memref<1x1xf32, #tpu.memory_space<vmem>>, vector<1x1xf32>
    %add3A_134 = vector.broadcast %reduce_sum3A_117 : f32 to vector<1x1xf32>
    %add3A_135 = arith.addf %get3A_133, %add3A_134 : vector<1x1xf32>
    %swap3A_136 = arith.constant 0 : index
    %swap3A_137 = arith.constant 0 : index
    %swap3A_138 = vector.load %arg7[%swap3A_136, %swap3A_137] : memref<1x1xf32, #tpu.memory_space<vmem>>, vector<1x1xf32>
    tpu.vector_store %arg7[%swap3A_136, %swap3A_137], %add3A_135 {strides = array<i32>} : memref<1x1xf32, #tpu.memory_space<vmem>>, vector<1x1xf32>,
    %get3A_139 = arith.constant 0 : index
    %get3A_140 = arith.constant 0 : index
    %get3A_141 = vector.load %arg8[%get3A_139, %get3A_140] : memref<1x1xf32, #tpu.memory_space<vmem>>, vector<1x1xf32>
    %add3A_142 = vector.broadcast %reduce_sum3A_55 : f32 to vector<1x1xf32>
    %add3A_143 = arith.addf %get3A_141, %add3A_142 : vector<1x1xf32>
    %swap3A_144 = arith.constant 0 : index
    %swap3A_145 = arith.constant 0 : index
    %swap3A_146 = vector.load %arg8[%swap3A_144, %swap3A_145] : memref<1x1xf32, #tpu.memory_space<vmem>>, vector<1x1xf32>
    tpu.vector_store %arg8[%swap3A_144, %swap3A_145], %add3A_143 {strides = array<i32>} : memref<1x1xf32, #tpu.memory_space<vmem>>, vector<1x1xf32>,
    %get3A_147 = arith.constant 0 : index
    %get3A_148 = arith.constant 0 : index
    %get3A_149 = vector.load %arg9[%get3A_147, %get3A_148] : memref<1x1xf32, #tpu.memory_space<vmem>>, vector<1x1xf32>
    %add3A_150 = vector.broadcast %reduce_sum3A_61 : f32 to vector<1x1xf32>
    %add3A_151 = arith.addf %get3A_149, %add3A_150 : vector<1x1xf32>
    %swap3A_152 = arith.constant 0 : index
    %swap3A_153 = arith.constant 0 : index
    %swap3A_154 = vector.load %arg9[%swap3A_152, %swap3A_153] : memref<1x1xf32, #tpu.memory_space<vmem>>, vector<1x1xf32>
    tpu.vector_store %arg9[%swap3A_152, %swap3A_153], %add3A_151 {strides = array<i32>} : memref<1x1xf32, #tpu.memory_space<vmem>>, vector<1x1xf32>,
    return
  }
  func.func @transform_0(%arg0: i32) -> (i32, i32) {
    %c0_i32 = arith.constant 0 : i32
    %c0_i32_0 = arith.constant 0 : i32
    return %arg0, %c0_i32 : i32, i32
  }
  func.func @transform_1(%arg0: i32) -> (i32, i32) {
    %c0_i32 = arith.constant 0 : i32
    %c0_i32_0 = arith.constant 0 : i32
    return %arg0, %c0_i32 : i32, i32
  }
  func.func @transform_2(%arg0: i32) -> (i32, i32, i32) {
    %c0_i32 = arith.constant 0 : i32
    %c0_i32_0 = arith.constant 0 : i32
    %c0_i32_1 = arith.constant 0 : i32
    return %arg0, %c0_i32, %c0_i32_0 : i32, i32, i32
  }
  func.func @transform_3(%arg0: i32) -> (i32, i32, i32) {
    %c0_i32 = arith.constant 0 : i32
    %c0_i32_0 = arith.constant 0 : i32
    %c0_i32_1 = arith.constant 0 : i32
    return %arg0, %c0_i32, %c0_i32_0 : i32, i32, i32
  }
  func.func @transform_4(%arg0: i32) -> (i32, i32, i32) {
    %c0_i32 = arith.constant 0 : i32
    %c0_i32_0 = arith.constant 0 : i32
    %c0_i32_1 = arith.constant 0 : i32
    return %arg0, %c0_i32, %c0_i32_0 : i32, i32, i32
  }
  func.func @transform_5(%arg0: i32) -> (i32, i32) {
    %c0_i32 = arith.constant 0 : i32
    %c0_i32_0 = arith.constant 0 : i32
    %c0_i32_1 = arith.constant 0 : i32
    return %c0_i32, %c0_i32_0 : i32, i32
  }
  func.func @transform_6(%arg0: i32) -> (i32, i32) {
    %c0_i32 = arith.constant 0 : i32
    %c0_i32_0 = arith.constant 0 : i32
    %c0_i32_1 = arith.constant 0 : i32
    return %c0_i32, %c0_i32_0 : i32, i32
  }
  func.func @transform_7(%arg0: i32) -> (i32, i32) {
    %c0_i32 = arith.constant 0 : i32
    %c0_i32_0 = arith.constant 0 : i32
    %c0_i32_1 = arith.constant 0 : i32
    return %c0_i32, %c0_i32_0 : i32, i32
  }
  func.func @transform_8(%arg0: i32) -> (i32, i32) {
    %c0_i32 = arith.constant 0 : i32
    %c0_i32_0 = arith.constant 0 : i32
    %c0_i32_1 = arith.constant 0 : i32
    return %c0_i32, %c0_i32_0 : i32, i32
  }
}

</mosaic_0001>

<sc_bundles>
// kernel: kernel.4.cloned.1.call-start
scs
__scs_entry_jumppad:
0x0: {  	(pc) =	sbr.rel $0x88, $3  }
0x1: {  	(tag) =	ssettag $0x0;
	lr =	simm.s32 $0x1  }
0x2: {  	[smem:$0x3F9D] =	sst lr;
	_ =	strace $0xD0000000  }
0x3: {  	_ = 	snop  }
0x4: {  	_ = 	snop  }
0x5: {  	_ = 	snop  }
0x6: {  	_ = 	snop  }
0x7: {  	_ = 	snop  }
__scs_overlays_trampoline_lowered:
0x8: {  	[smem:$0x3FAC] =	sst s0  }
0x9: {  	[smem:$0x3FAD] =	sst s1  }
0xa: {  	[smem:$0x3FAE] =	sst s2  }
0xb: {  	[smem:$0x3FAF] =	sst s3  }
0xc: {  	[smem:$0x3FB0] =	sst s4  }
0xd: {  	[smem:$0x3FB1] =	sst s5  }
0xe: {  	[smem:$0x3FB2] =	sst s6  }
0xf: {  	[smem:$0x3FB3] =	sst s7  }
0x10: {  	[smem:$0x3FB4] =	sst s8  }
0x11: {  	[smem:$0x3FB5] =	sst s9;
	s0 =	simm.s32 @!p0 $0x0  }
0x12: {  	s1 =	sld [smem:$0x3F9B];
	s0 =	simm.s32 @p0 $0x1  }
0x13: {  	[smem:$0x3FB6] =	sst s0;
	s0 =	simm.s32 @!p1 $0x0  }
0x14: {  	s2 =	sld [smem:$0x3F9A];
	s0 =	simm.s32 @p1 $0x1  }
0x15: {  	[smem:$0x3FB7] =	sst s0;
	s0 =	simm.s32 @!p2 $0x0  }
0x16: {  	s3 =	sld [smem:$0x3FDB];
	s0 =	simm.s32 @p2 $0x1  }
0x17: {  	s4 =	simm.s32 $0x1BF5;
	[smem:$0x3FB9] =	sst s0  }
0x18: {  	s0 =	sld [smem:$0x3F9C];
	_ =	swait.ge [sflag:s4], $0x0  }
0x19: {  	s7 =	sld [smem:$0x3F9D]  }
0x1a: {  	s8 =	sadd.s32 $0xFFFFE003, lr  }
0x1b: {  	s9 =	sadd.s32 $0xFFFFFEF7, lr;
	s5 =	simm.s32 $0xFFFFFFFF;
	p2 =	slt.u32 s8, $0xFFFFF086  }
0x1c: {  	p1 =	slt.u32 s9, $0xF7A;
	s5 =	simm.s32 @!p2 $0x0  }
0x1d: {  	s5 =	simm.s32 @p1 $0x1;
	p0 =	seq.s32 s7, s2  }
0x1e: {  	s7 =	smul.u32 @!p0 $0xF7A, s2;
	p2 =	seq.s32 @!p0 s5, $0x0  }
0x1f: {  	s9 =	smul.u32 $0xF7A, s1;
	s8 =	simm.s32 @!p0 $0x1BF5;
	p2 =	por !p2, p0  }
0x20: {  	[sflag:s8] =	ssyncset.s32 @!p0 $0xFFFFF086;
	s6 =	sadd.s32 @!p0 s3, s7;
	s7 =	simm.s32 @!p0 $0x108  }
0x21: {  	s3 =	sadd.s32 s3, s9;
	s6 =	sadd.s32 @!p0 $0x88, s6;
	s7 =	simm.s32 @p2 $0x1082  }
0x22: {  	[simem:s7], [sflag:s8] =	dma.local @!p0 [hbm:s6], $0xF7A  }
0x23: {  	s9 =	sor.u32 $0xD0000000, s2;
	s6 =	simm.s32 $0x108;
	_ =	swait.ge @!p0 [sflag:s8], $0x0  }
0x24: {  	s3 =	sadd.s32 $0x88, s3;
	s6 =	simm.s32 @!p1 $0x1082;
	[sflag:s4] =	ssyncset.s32 $0xFFFFF086  }
0x25: {  	[simem:s6], [sflag:s4] =	dma.local [hbm:s3], $0xF7A  }
0x26: {  	[smem:$0x3F9D] =	sst s1;
	(tag) =	ssettag s2;
	_ =	strace s9  }
0x27: {  	s1 =	sld [smem:$0x3FAD]  }
0x28: {  	s2 =	sld [smem:$0x3FAE]  }
0x29: {  	s4 =	sld [smem:$0x3FB0]  }
0x2a: {  	p0 =	seq.s32 s5, $0x0;
	s5 =	sld [smem:$0x3FB1]  }
0x2b: {  	s6 =	sld [smem:$0x3FB2]  }
0x2c: {  	s7 =	sld [smem:$0x3FB3]  }
0x2d: {  	s3 =	simm.s32 $0x108;
	s8 =	sld [smem:$0x3FB4]  }
0x2e: {  	s3 =	simm.s32 @!p0 $0x1082;
	s9 =	sld [smem:$0x3FB5]  }
0x2f: {  	lr =	sadd.s32 s0, s3;
	s0 =	sld [smem:$0x3FAC]  }
0x30: {  	s3 =	sld [smem:$0x3FAF]  }
0x31: {  	[smem:$0x3FB8] =	sst s10  }
0x32: {  	s10 =	sld [smem:$0x3FB6];
	_ =	sdelay $0x3  }
0x33: {  	p0 =	seq.s32 s10, $0x1;
	s10 =	sld [smem:$0x3FB8];
	_ =	sdelay $0x3  }
0x34: {  	[smem:$0x3FB8] =	sst s10  }
0x35: {  	s10 =	sld [smem:$0x3FB7];
	_ =	sdelay $0x3  }
0x36: {  	p1 =	seq.s32 s10, $0x1;
	s10 =	sld [smem:$0x3FB8];
	_ =	sdelay $0x3  }
0x37: {  	[smem:$0x3FB8] =	sst s10  }
0x38: {  	s10 =	sld [smem:$0x3FB9]  }
0x39: {  	_ = 	snop;
	(pc) =	sbr.ind lr, $3  }
0x3a: {  	_ = 	snop  }
0x3b: {  	_ = 	snop  }
0x3c: {  	p2 =	seq.s32 s10, $0x1;
	s10 =	sld [smem:$0x3FB8]  }
0x3d: {  	_ =	shalt  }
0x3e: {  	_ =	shalt  }
0x3f: {  	_ =	shalt  }
0x40: {  	_ =	shalt  }
0x41: {  	_ =	shalt  }
0x42: {  	_ =	shalt  }
0x43: {  	_ =	shalt  }
0x44: {  	_ =	shalt  }
0x45: {  	_ =	shalt  }
0x46: {  	_ =	shalt  }
0x47: {  	_ =	shalt  }
0x48: {  	_ =	shalt  }
0x49: {  	_ =	shalt  }
0x4a: {  	_ =	shalt  }
0x4b: {  	_ =	shalt  }
0x4c: {  	_ =	shalt  }
0x4d: {  	_ =	shalt  }
0x4e: {  	_ =	shalt  }
0x4f: {  	_ =	shalt  }
0x50: {  	_ =	shalt  }
0x51: {  	_ =	shalt  }
0x52: {  	_ =	shalt  }
0x53: {  	_ =	shalt  }
0x54: {  	_ =	shalt  }
0x55: {  	_ =	shalt  }
0x56: {  	_ =	shalt  }
0x57: {  	_ =	shalt  }
0x58: {  	_ =	shalt  }
0x59: {  	_ =	shalt  }
0x5a: {  	_ =	shalt  }
0x5b: {  	_ =	shalt  }
0x5c: {  	_ =	shalt  }
0x5d: {  	_ =	shalt  }
0x5e: {  	_ =	shalt  }
0x5f: {  	_ =	shalt  }
0x60: {  	_ =	shalt  }
0x61: {  	_ =	shalt  }
0x62: {  	_ =	shalt  }
0x63: {  	_ =	shalt  }
0x64: {  	_ =	shalt  }
0x65: {  	_ =	shalt  }
0x66: {  	_ =	shalt  }
0x67: {  	_ =	shalt  }
0x68: {  	_ =	shalt  }
0x69: {  	_ =	shalt  }
0x6a: {  	_ =	shalt  }
0x6b: {  	_ =	shalt  }
0x6c: {  	_ =	shalt  }
0x6d: {  	_ =	shalt  }
0x6e: {  	_ =	shalt  }
0x6f: {  	_ =	shalt  }
0x70: {  	_ =	shalt  }
0x71: {  	_ =	shalt  }
0x72: {  	_ =	shalt  }
0x73: {  	_ =	shalt  }
0x74: {  	_ =	shalt  }
0x75: {  	_ =	shalt  }
0x76: {  	_ =	shalt  }
0x77: {  	_ =	shalt  }
0x78: {  	_ =	shalt  }
0x79: {  	_ =	shalt  }
0x7a: {  	_ =	shalt  }
0x7b: {  	_ =	shalt  }
0x7c: {  	_ =	shalt  }
0x7d: {  	_ =	shalt  }
0x7e: {  	_ =	shalt  }
0x7f: {  	_ =	shalt  }
0x80: {  	_ =	shalt  }
0x81: {  	_ =	shalt  }
0x82: {  	_ =	shalt  }
0x83: {  	_ =	shalt  }
0x84: {  	_ =	shalt  }
0x85: {  	_ =	shalt  }
0x86: {  	_ =	shalt  }
0x87: {  	_ =	shalt  }
.Lfunc_end0:
.L_simem_size_0:
called_computation_lowered:
.L_overlay_start_0:
0x88: {  	s2 =	sld [smem:$0x3FD9]  }
0x89: {  	s3 =	sld [smem:$0x3FFE];
	_ =	sdelay $0x1  }
0x8a: {  	s1 =	srdreg.scid  }
0x8b: {  	s0 =	sand.u32 $0x1, s1  }
0x8c: {  	s17 =	sshll.u32 s0, $0xA;
	s2 =	sadd.s32 s3, s2  }
0x8d: {  	s2 =	sadd.s32 s2, s17  }
0x8e: {  	[smem:$0x3FC4] =	sst s2  }
0x8f: {  	_ = 	snop  }
0x90: {  	s2 =	sld [smem:$0x3FC8];
	(tm) =	ssettm $0x1  }
0x91: {  	s18 =	sld [smem:$0x3FFB];
	_ =	sdelay $0x3  }
0x92: {  	_ =	strace s18  }
0x93: {  	s3 =	sld [smem:$0x3FFC];
	_ =	sdelay $0x3  }
0x94: {  	_ =	strace s3  }
0x95: {  	s3 =	sld [smem:$0x3FFD];
	_ =	sdelay $0x3  }
0x96: {  	_ =	strace s3  }
0x97: {  	_ =	strace $0x8FFFFFFF  }
0x98: {  	s19 =	sld [smem:$0x3FDB];
	_ =	sdelay $0x1  }
0x99: {  	s4 =	simm.s32 $_scs_section_size  }
0x9a: {  	s5 =	simm.s32 $_size__tile_overlayer_lowered;
	s6 =	simm.s32 $_tile_overlayer_lowered  }
0x9b: {  	s22 =	simm.s32 $0x1BFF;
	s21 =	sshll.u32 s6, $0x1;
	s3 =	sadd.s32 s4, s19  }
0x9c: {  	s7 =	simm.s32 $0x0;
	s20 =	sshll.u32 s5, $0x1;
	s5 =	sadd.s32 s21, s3  }
0x9d: {  	[timem:s7], [sflag:s22] =	dma.local [hbm:s5], s20  }
0x9e: {  	_ =	swait.ge [sflag:s22], s20  }
0x9f: {  	s4 =	ssub.s32 $0x0, s20;
	[sflag:s22] =	ssyncset.done $0x0  }
0xa0: {  	[sflag:s22] =	ssyncadd.s32 s4;
	_ =	sdelay $0x1  }
0xa1: {  	s23 =	simm.s32 $0x1B8B  }
0xa2: {  	_ =	swait.ge [sflag:s23], $0x1  }
0xa3: {  	[sflag:s23] =	ssyncset.done $0x0  }
0xa4: {  	s25 =	simm.s32 $0x1B8E;
	s24 =	sld [smem:$0x3FFE];
	[sflag:s23] =	ssyncadd.s32 $0xFFFFFFFF  }
0xa5: {  	s26 =	simm.s32 $execute0_lowered;
	[smem:$0x3FD2] =	sst s25  }
0xa6: {  	s5 =	sshll.u32 s26, $0x1;
	_ =	strace $0x80000046;
	[dreg:$0x1] =	wrdreg $0xFFFFFFFF  }
0xa7: {  	s28 =	simm.s32 $_size_execute0_lowered;
	s3 =	sadd.s32 s3, s5;
	[dreg:$0x0] =	wrdreg $0x0  }
0xa8: {  	s5 =	sshll.u32 s28, $0x1;
	[dreg:$0x2] =	wrdreg s3  }
0xa9: {  	[dreg:$0x3] =	wrdreg s5  }
0xaa: {  	[dreg:$0x4] =	wrdreg $0xC0  }
0xab: {  	_ =	task [dreg:s7], $0x5FFFF  }
0xac: {  	[dreg:$0x1] =	wrdreg $0xFFFFFFFF  }
0xad: {  	[dreg:$0x0] =	wrdreg $0x60  }
0xae: {  	[dreg:$0x2] =	wrdreg s2  }
0xaf: {  	[dreg:$0x3] =	wrdreg s24  }
0xb0: {  	[dreg:$0x4] =	wrdreg $0x9  }
0xb1: {  	_ =	task.clear_ibuf [dreg:s7], $0x5FFFF;
	_ =	strace $0x90000046  }
0xb2: {  	s29 =	simm.s32 $0x9;
	_ =	strace $0x80000048  }
0xb3: {  	_ =	swait.ge [sflag:s29], $0x1  }
0xb4: {  	[sflag:s29] =	ssyncadd.s32 $0xFFFFFFFF  }
0xb5: {  	_ =	strace $0x90000048  }
0xb6: {  	_ =	sfence  }
0xb7: {  	s30 =	sld [smem:$0x0];
	_ =	sdelay $0x2  }
0xb8: {  	s31 =	sshll.u32 s1, $0xD;
	s1 =	sshrl.u32 s1, $0x2  }
0xb9: {  	s3 =	sand.u32 $0x4000, s31;
	s1 =	sadd.s32 s1, s30  }
0xba: {  	s0 =	sor.u32 s3, s0;
	s1 =	sshll.u32 s1, $0x11  }
0xbb: {  	s0 =	sor.u32 s1, s0  }
0xbc: {  	s0 =	sadd.s32 $0x8F2B, s0  }
0xbd: {  	[sflag:s0] =	ssyncadd.remote.s32 $0x1  }
0xbe: {  	_ =	sfence.sel $0xFFFF  }
0xbf: {  	[dreg:$0x0] =	wrdreg $0xFFFFFFFF;
	(pc) =	sbr.abs _section_cstart, $3  }
0xc0: {  	[dreg:$0x1] =	wrdreg $0xFFFFFFFF  }
0xc1: {  	_ =	task.clear_ibuf [dreg:s7], $0x2FFFF;
	_ =	strace $0x9FFFFFFF  }
0xc2: {  	(tm) =	ssettm $0x7FFFFFFF  }
0xc3: {  	_ =	shalt  }
tec
execute0_lowered:
.L_overlay_start_1:
0x0: {  	(tag) =	ssettag $0x1  }
0x1: {  	s1 =	srdreg.scid;
	s2 =	rddreg [dreg:$0x0]  }
0x2: {  	s0 =	stileid.u32;
	s5 =	rddreg [dreg:$0x1]  }
0x3: {  	s9 =	simm.s32 $0x1;
	s10 =	simm.s32 $0x10000;
	s11 =	simm.s32 $0x11000  }
0x4: {  	s12 =	simm.s32 $0x0;
	s4 =	sand.u32 $0x1, s1;
	s3 =	sshll.u32 s0, $0x7  }
0x5: {  	s1 =	rddreg [dreg:$0x2];
	s6 =	sshll.u32 s4, $0x6;
	s31 =	ssub.s32 $0x2, s4  }
0x6: {  	s4 =	simm.s32 $0x0;
	s3 =	sor.u32 s6, s3;
	s8 =	sshrl.u32 s31, $0x1  }
0x7: {  	[smem:$0x7FF] =	sst s4;
	s7 =	sshrl.u32 s3, $0x3;
	s6 =	ssub.s32 s31, s8  }
0x8: {  	_ =	strace $0x80000047;
	s8 =	simm.s32 $0x400;
	s5 =	sadd.s32 s7, s5  }
0x9: {  	v0 =	vlaneseq.u32;
	v1 =	vimm.s32 $0x1;
	v2 =	vimm.s32 $0x0;
	s6 =	smax.u32 s6, $0x1;
	s7 =	simm.s32 $0x80;
	s5 =	sadd.s32 $0x600, s5  }
.LBB2_1:
0xa: {  	v3 =	vimm.s32 $0x0;
	s13 =	simm.s32 $0x0  }
.LBB2_2:
0xb: {  	s14 =	sadd.s32 s3, s13;
	s15 =	sshll.u32 s13, $0x4  }
0xc: {  	s14 =	sshll.u32 s14, $0xC;
	s15 =	sand.u32 $0x70, s15  }
0xd: {  	s14 =	sand.u32 $0x7F8000, s14;
	s15 =	sadd.s32 s2, s15  }
0xe: {  	s15 =	sadd.s32 s14, s15;
	s14 =	simm.s32 $0x0  }
0xf: {  	[tilespmem:s14], [sflag:$0x1] =	stream.strided.gather [hbm4b:s15+s7], $0x8000, s8, s7, $0x38;
	[tilespmem:$0x11080] =	vst v63  }
0x10: {  	_ =	swait.ge [sflag:s9], $0x8000  }
0x11: {  	[sflag:s9] =	ssyncset.done $0x0  }
0x12: {  	v4 =	vimm.s32 $0x0;
	s16 =	simm.s32 $0x200;
	s15 =	simm.s32 $0x0;
	[sflag:s9] =	ssyncadd.s32 $0xFFFF8000  }
.LBB2_3:
0x13: {  	p0 =	sne.s32 s16, $0x3E00;
	[tilespmem:s15+$0x10070] =	vst v4  }
0x14: {  	[tilespmem:s15+$0x10000] =	vst v4  }
0x15: {  	[tilespmem:s15+$0x10010] =	vst v4  }
.Ltmp0:
0x16: {  	[tilespmem:s15+$0x10020] =	vst v4;
	(pc) =	sbr.rel @p0 .LBB2_3-.Ltmp0, $4  }
0x17: {  	[tilespmem:s15+$0x10030] =	vst v4  }
0x18: {  	[tilespmem:s15+$0x10040] =	vst v4  }
0x19: {  	[tilespmem:s15+$0x10050] =	vst v4  }
0x1a: {  	[tilespmem:s15+$0x10060] =	vst v4;
	s15 =	sshra.s32 s16, $0x2;
	s16 =	sadd.s32 $0x200, s16  }
0x1b: {  	[tilespmem:s15+$0x10070] =	vst v4  }
0x1c: {  	[tilespmem:s15+$0x10000] =	vst v4  }
0x1d: {  	[tilespmem:s15+$0x10010] =	vst v4  }
0x1e: {  	[tilespmem:s15+$0x10020] =	vst v4  }
0x1f: {  	[tilespmem:s15+$0x10030] =	vst v4  }
0x20: {  	[tilespmem:s15+$0x10040] =	vst v4  }
0x21: {  	[tilespmem:s15+$0x10050] =	vst v4  }
0x22: {  	[tilespmem:s15+$0x10060] =	vst v4  }
.LBB2_5:
0x23: {  	s15 =	sshra.s32 s14, $0x2  }
0x24: {  	v5 =	vld [tilespmem:s15+$0x0];
	_ =	sdelay $0x4  }
0x25: {  	v6 =	vshra.s32 v5, $0x1F  }
0x26: {  	v6 =	vand.u32 $0x7FFFFFFF, v6  }
0x27: {  	v5 =	vxor.u32 v5, v6  }
0x28: {  	v6 =	vshra.s32 v5, $0x18  }
0x29: {  	v6 =	vadd.s32 $0x80, v6  }
0x2a: {  	v7 =	vshll.u32 v6, $0x4  }
0x2b: {  	v7 =	vor.u32 v0, v7;
	_ =	sdelay $0x3  }
0x2c: {  	[tilespmem:s15+$0x8000] =	vst v5  }
0x2d: {  	[tilespmem:v7+s10+$0x0] =	vst.idx.add.s32.msk $0xffff, v1  }
0x2e: {  	v5 =	vld [tilespmem:s15+$0x10];
	_ =	sdelay $0x4  }
0x2f: {  	v7 =	vshra.s32 v5, $0x1F  }
0x30: {  	v7 =	vand.u32 $0x7FFFFFFF, v7  }
0x31: {  	v5 =	vxor.u32 v5, v7  }
0x32: {  	v7 =	vshra.s32 v5, $0x18  }
0x33: {  	v7 =	vadd.s32 $0x80, v7  }
0x34: {  	v8 =	vshll.u32 v7, $0x4  }
0x35: {  	v8 =	vor.u32 v0, v8;
	_ =	sdelay $0x3  }
0x36: {  	[tilespmem:s15+$0x8010] =	vst v5  }
0x37: {  	[tilespmem:v8+s10+$0x0] =	vst.idx.add.s32.msk $0xffff, v1  }
0x38: {  	v5 =	vld [tilespmem:s15+$0x20];
	_ =	sdelay $0x4  }
0x39: {  	v58 =	vshra.s32 v5, $0x1F  }
0x3a: {  	v8 =	vand.u32 $0x7FFFFFFF, v58  }
0x3b: {  	v5 =	vxor.u32 v5, v8  }
0x3c: {  	v8 =	vshra.s32 v5, $0x18  }
0x3d: {  	v8 =	vadd.s32 $0x80, v8  }
0x3e: {  	v9 =	vshll.u32 v8, $0x4  }
0x3f: {  	v9 =	vor.u32 v0, v9;
	_ =	sdelay $0x3  }
0x40: {  	[tilespmem:s15+$0x8020] =	vst v5  }
0x41: {  	[tilespmem:v9+s10+$0x0] =	vst.idx.add.s32.msk $0xffff, v1  }
0x42: {  	v5 =	vld [tilespmem:s15+$0x30];
	_ =	sdelay $0x4  }
0x43: {  	v59 =	vshra.s32 v5, $0x1F  }
0x44: {  	v9 =	vand.u32 $0x7FFFFFFF, v59  }
0x45: {  	v5 =	vxor.u32 v5, v9  }
0x46: {  	v9 =	vshra.s32 v5, $0x18  }
0x47: {  	v9 =	vadd.s32 $0x80, v9  }
0x48: {  	v10 =	vshll.u32 v9, $0x4  }
0x49: {  	v10 =	vor.u32 v0, v10;
	_ =	sdelay $0x3  }
0x4a: {  	[tilespmem:s15+$0x8030] =	vst v5  }
0x4b: {  	[tilespmem:v10+s10+$0x0] =	vst.idx.add.s32.msk $0xffff, v1  }
0x4c: {  	v5 =	vld [tilespmem:s15+$0x40];
	_ =	sdelay $0x4  }
0x4d: {  	v60 =	vshra.s32 v5, $0x1F  }
0x4e: {  	v10 =	vand.u32 $0x7FFFFFFF, v60  }
0x4f: {  	v5 =	vxor.u32 v5, v10  }
0x50: {  	v10 =	vshra.s32 v5, $0x18  }
0x51: {  	v10 =	vadd.s32 $0x80, v10  }
0x52: {  	v11 =	vshll.u32 v10, $0x4  }
0x53: {  	v11 =	vor.u32 v0, v11;
	_ =	sdelay $0x3  }
0x54: {  	[tilespmem:s15+$0x8040] =	vst v5  }
0x55: {  	[tilespmem:v11+s10+$0x0] =	vst.idx.add.s32.msk $0xffff, v1  }
0x56: {  	v5 =	vld [tilespmem:s15+$0x50];
	_ =	sdelay $0x4  }
0x57: {  	v61 =	vshra.s32 v5, $0x1F  }
0x58: {  	v11 =	vand.u32 $0x7FFFFFFF, v61  }
0x59: {  	v5 =	vxor.u32 v5, v11  }
0x5a: {  	v11 =	vshra.s32 v5, $0x18  }
0x5b: {  	v11 =	vadd.s32 $0x80, v11  }
0x5c: {  	v12 =	vshll.u32 v11, $0x4  }
0x5d: {  	v12 =	vor.u32 v0, v12;
	_ =	sdelay $0x3  }
0x5e: {  	[tilespmem:s15+$0x8050] =	vst v5  }
0x5f: {  	[tilespmem:v12+s10+$0x0] =	vst.idx.add.s32.msk $0xffff, v1  }
0x60: {  	v5 =	vld [tilespmem:s15+$0x60];
	_ =	sdelay $0x4  }
0x61: {  	v62 =	vshra.s32 v5, $0x1F  }
0x62: {  	v12 =	vand.u32 $0x7FFFFFFF, v62  }
0x63: {  	v5 =	vxor.u32 v5, v12  }
0x64: {  	v12 =	vshra.s32 v5, $0x18  }
0x65: {  	v12 =	vadd.s32 $0x80, v12  }
0x66: {  	v13 =	vshll.u32 v12, $0x4  }
0x67: {  	v13 =	vor.u32 v0, v13;
	_ =	sdelay $0x3  }
0x68: {  	[tilespmem:s15+$0x8060] =	vst v5  }
0x69: {  	[tilespmem:v13+s10+$0x0] =	vst.idx.add.s32.msk $0xffff, v1  }
0x6a: {  	v5 =	vld [tilespmem:s15+$0x70];
	_ =	sdelay $0x4  }
0x6b: {  	v63 =	vshra.s32 v5, $0x1F  }
0x6c: {  	v13 =	vand.u32 $0x7FFFFFFF, v63  }
0x6d: {  	v5 =	vxor.u32 v5, v13  }
0x6e: {  	vm0 =	vgt.s32 v4, v6;
	v13 =	vshra.s32 v5, $0x18  }
0x6f: {  	v4 =	vsel vm0, v4, v6;
	v6 =	vadd.s32 $0x80, v13  }
0x70: {  	v4 =	vmax.u32 v4, v7;
	v7 =	vshll.u32 v6, $0x4  }
0x71: {  	p0 =	sne.s32 s14, $0x1FE00;
	v4 =	vmax.u32 v4, v8;
	v7 =	vor.u32 v0, v7  }
.Ltmp1:
0x72: {  	v4 =	vmax.u32 v4, v9;
	(pc) =	sbr.rel @p0 .LBB2_5-.Ltmp1, $4  }
0x73: {  	v4 =	vmax.u32 v4, v10  }
0x74: {  	v4 =	vmax.u32 v4, v11  }
0x75: {  	v4 =	vmax.u32 v4, v12;
	[tilespmem:s15+$0x8070] =	vst v5  }
0x76: {  	s14 =	sadd.s32 $0x200, s14;
	v4 =	vmax.u32 v4, v6;
	[tilespmem:v7+s10+$0x0] =	vst.idx.add.s32.msk $0xffff, v1  }
0x77: {  	v4 =	vxor.u32 $0x80000000, v4  }
0x78: {  	(xrf0) =	vmax.scan.msk.u32 $0xffff, v4;
	_ =	sdelay $0x5  }
0x79: {  	v4, _, _ =	vpop (xrf0)  }
0x7a: {  	(v2sf) =	vpush v4, $0xF;
	_ =	sdelay $0xe  }
0x7b: {  	s14 =	spop (v2sf)  }
0x7c: {  	s15 =	sshll.u32 s14, $0x6  }
0x7d: {  	s17 =	simm.s32 $0x0;
	s15 =	sshra.s32 s15, $0x2  }
0x7e: {  	s18 =	simm.s32 $0x0;
	s16 =	sadd.s32 $0x10000, s15;
	s15 =	sadd.s32 $0x7FFFFF81, s14  }
.LBB2_7:
0x7f: {  	v4 =	vld [tilespmem:s16+$0x0];
	_ =	sdelay $0x4  }
0x80: {  	(xrf0) =	vadd.scan.msk.s32 $0xffff, v4;
	_ =	sdelay $0x5  }
0x81: {  	v4, _, _ =	vpop (xrf0)  }
0x82: {  	(v2sf) =	vpush v4, $0xF;
	_ =	sdelay $0xe  }
0x83: {  	s14 =	smov.u32 s18;
	s31 =	spop (v2sf)  }
0x84: {  	s18 =	sadd.s32 s14, s31  }
0x85: {  	p0 =	slt.s32 s18, $0x80  }
.Ltmp2:
0x86: {  	_ = 	snop;
	(pc) =	sbr.rel @p0 .LBB2_7-.Ltmp2, $2  }
0x87: {  	_ =	sdelay $0x2  }
0x88: {  	s16 =	sadd.s32 $0xFFFFFFF0, s16;
	s15 =	sadd.s32 $0xFFFFFFFF, s15  }
0x89: {  	s16 =	sshra.s32 s17, $0x2;
	s17 =	sadd.s32 $0x200, s17  }
.LBB2_9:
0x8a: {  	p1 =	seq.s32 s17, $0x3E00;
	[tilespmem:s16+$0x10070] =	vst v2  }
0x8b: {  	[tilespmem:s16+$0x10000] =	vst v2  }
0x8c: {  	[tilespmem:s16+$0x10010] =	vst v2  }
.Ltmp3:
0x8d: {  	[tilespmem:s16+$0x10020] =	vst v2;
	(pc) =	sbr.rel @!p1 .LBB2_9-.Ltmp3, $4  }
0x8e: {  	[tilespmem:s16+$0x10030] =	vst v2  }
0x8f: {  	[tilespmem:s16+$0x10040] =	vst v2  }
0x90: {  	[tilespmem:s16+$0x10050] =	vst v2  }
0x91: {  	[tilespmem:s16+$0x10060] =	vst v2;
	s16 =	sshra.s32 s17, $0x2;
	s17 =	sadd.s32 $0x200, s17  }
0x92: {  	[tilespmem:s16+$0x10070] =	vst v2  }
0x93: {  	[tilespmem:s16+$0x10000] =	vst v2  }
0x94: {  	[tilespmem:s16+$0x10010] =	vst v2  }
0x95: {  	[tilespmem:s16+$0x10020] =	vst v2  }
0x96: {  	[tilespmem:s16+$0x10030] =	vst v2  }
0x97: {  	[tilespmem:s16+$0x10040] =	vst v2  }
0x98: {  	[tilespmem:s16+$0x10050] =	vst v2  }
0x99: {  	[tilespmem:s16+$0x10060] =	vst v2;
	s16 =	simm.s32 $0x1  }
0x9a: {  	s16 =	simm.s32 @!p0 $0x0  }
0x9b: {  	s15 =	ssub.s32 s15, s16  }
0x9c: {  	v5 =	vimm.s32 $0x0;
	s16 =	simm.s32 $0x0;
	v4 =	vmov s15  }
.LBB2_11:
0x9d: {  	s17 =	sshra.s32 s16, $0x2  }
0x9e: {  	v6 =	vld [tilespmem:s17+$0x8000];
	_ =	sdelay $0x4  }
0x9f: {  	v7 =	vshrl.u32 v6, $0x10  }
0xa0: {  	v6 =	vshra.s32 v6, $0x18;
	v8 =	vshll.u32 v7, $0x4  }
0xa1: {  	vm0 =	veq.s32 v6, v4;
	v6 =	vor.u32 v0, v8  }
0xa2: {  	v6 =	vand.u32 $0xFFF, v6;
	_ =	sdelay $0x4  }
0xa3: {  	[tilespmem:v6+s10+$0x0] =	vst.idx.add.s32.msk vm0, v1  }
0xa4: {  	v6 =	vld [tilespmem:s17+$0x8010];
	_ =	sdelay $0x4  }
0xa5: {  	v56 =	vshrl.u32 v6, $0x10  }
0xa6: {  	v6 =	vshra.s32 v6, $0x18;
	v9 =	vshll.u32 v56, $0x4  }
0xa7: {  	vm1 =	veq.s32 v6, v4;
	v6 =	vor.u32 v0, v9  }
0xa8: {  	v6 =	vand.u32 $0xFFF, v6;
	_ =	sdelay $0x4  }
0xa9: {  	[tilespmem:v6+s10+$0x0] =	vst.idx.add.s32.msk vm1, v1  }
0xaa: {  	v6 =	vld [tilespmem:s17+$0x8020];
	_ =	sdelay $0x4  }
0xab: {  	v57 =	vshrl.u32 v6, $0x10  }
0xac: {  	v6 =	vshra.s32 v6, $0x18;
	v10 =	vshll.u32 v57, $0x4  }
0xad: {  	vm2 =	veq.s32 v6, v4;
	v6 =	vor.u32 v0, v10  }
0xae: {  	v6 =	vand.u32 $0xFFF, v6;
	_ =	sdelay $0x4  }
0xaf: {  	[tilespmem:v6+s10+$0x0] =	vst.idx.add.s32.msk vm2, v1  }
0xb0: {  	v6 =	vld [tilespmem:s17+$0x8030];
	_ =	sdelay $0x4  }
0xb1: {  	v58 =	vshrl.u32 v6, $0x10  }
0xb2: {  	v6 =	vshra.s32 v6, $0x18;
	v11 =	vshll.u32 v58, $0x4  }
0xb3: {  	vm3 =	veq.s32 v6, v4;
	v6 =	vor.u32 v0, v11  }
0xb4: {  	v6 =	vand.u32 $0xFFF, v6;
	_ =	sdelay $0x4  }
0xb5: {  	[tilespmem:v6+s10+$0x0] =	vst.idx.add.s32.msk vm3, v1  }
0xb6: {  	v6 =	vld [tilespmem:s17+$0x8040];
	_ =	sdelay $0x4  }
0xb7: {  	v59 =	vshrl.u32 v6, $0x10  }
0xb8: {  	v6 =	vshra.s32 v6, $0x18;
	v12 =	vshll.u32 v59, $0x4  }
0xb9: {  	vm4 =	veq.s32 v6, v4;
	v6 =	vor.u32 v0, v12  }
0xba: {  	v6 =	vand.u32 $0xFFF, v6;
	_ =	sdelay $0x4  }
0xbb: {  	[tilespmem:v6+s10+$0x0] =	vst.idx.add.s32.msk vm4, v1  }
0xbc: {  	v6 =	vld [tilespmem:s17+$0x8050];
	_ =	sdelay $0x4  }
0xbd: {  	v60 =	vshrl.u32 v6, $0x10  }
0xbe: {  	v6 =	vshra.s32 v6, $0x18;
	v13 =	vshll.u32 v60, $0x4  }
0xbf: {  	vm5 =	veq.s32 v6, v4;
	v6 =	vor.u32 v0, v13  }
0xc0: {  	v6 =	vand.u32 $0xFFF, v6;
	_ =	sdelay $0x4  }
0xc1: {  	[tilespmem:v6+s10+$0x0] =	vst.idx.add.s32.msk vm5, v1  }
0xc2: {  	v6 =	vld [tilespmem:s17+$0x8060];
	_ =	sdelay $0x4  }
0xc3: {  	v61 =	vshrl.u32 v6, $0x10  }
0xc4: {  	v6 =	vshra.s32 v6, $0x18;
	v14 =	vshll.u32 v61, $0x4  }
0xc5: {  	vm6 =	veq.s32 v6, v4;
	v6 =	vand.u32 $0xFF, v7;
	v7 =	vor.u32 v0, v14  }
0xc6: {  	vm7 =	vgt.s32 v5, v6;
	v7 =	vand.u32 $0xFFF, v7  }
0xc7: {  	v6 =	vsel vm7, v5, v6  }
0xc8: {  	v5 =	vsel vm0, v6, v5;
	v6 =	vand.u32 $0xFF, v56  }
0xc9: {  	vm0 =	vgt.s32 v5, v6  }
0xca: {  	v6 =	vsel vm0, v5, v6  }
0xcb: {  	v5 =	vsel vm1, v6, v5;
	v6 =	vand.u32 $0xFF, v57;
	[tilespmem:v7+s10+$0x0] =	vst.idx.add.s32.msk vm6, v1  }
0xcc: {  	vm13 =	vgt.s32 v5, v6;
	v7 =	vld [tilespmem:s17+$0x8070]  }
0xcd: {  	v62 =	vand.u32 $0xFF, v58;
	v6 =	vsel vm13, v5, v6  }
0xce: {  	v5 =	vsel vm2, v6, v5;
	v6 =	vnsel vm3, $0x0, v62  }
0xcf: {  	vm14 =	vgt.s32 v5, v6  }
0xd0: {  	v5 =	vsel vm14, v5, v6;
	v6 =	vand.u32 $0xFF, v59  }
0xd1: {  	v6 =	vmax.u32 v5, v6;
	v63 =	vshrl.u32 v7, $0x10  }
0xd2: {  	v5 =	vsel vm4, v6, v5;
	v6 =	vshra.s32 v7, $0x18;
	v7 =	vshll.u32 v63, $0x4  }
0xd3: {  	vm15 =	veq.s32 v6, v4;
	v6 =	vand.u32 $0xFF, v60;
	v7 =	vor.u32 v0, v7  }
0xd4: {  	p0 =	sne.s32 s16, $0x1FE00;
	v6 =	vmax.u32 v5, v6;
	v7 =	vand.u32 $0xFFF, v7  }
.Ltmp4:
0xd5: {  	v5 =	vsel vm5, v6, v5;
	v6 =	vand.u32 $0xFF, v61;
	(pc) =	sbr.rel @p0 .LBB2_11-.Ltmp4, $4  }
0xd6: {  	v6 =	vmax.u32 v5, v6  }
0xd7: {  	v5 =	vsel vm6, v6, v5;
	v6 =	vand.u32 $0xFF, v63  }
0xd8: {  	v6 =	vmax.u32 v5, v6  }
0xd9: {  	s16 =	sadd.s32 $0x200, s16;
	v5 =	vsel vm15, v6, v5;
	[tilespmem:v7+s10+$0x0] =	vst.idx.add.s32.msk vm15, v1  }
0xda: {  	v4 =	vxor.u32 $0x80000000, v5  }
0xdb: {  	(xrf0) =	vmax.scan.msk.u32 $0xffff, v4;
	_ =	sdelay $0x5  }
0xdc: {  	v4, _, _ =	vpop (xrf0)  }
0xdd: {  	(v2sf) =	vpush v4, $0xF;
	_ =	sdelay $0xe  }
0xde: {  	s16 =	spop (v2sf)  }
0xdf: {  	s17 =	sshll.u32 s16, $0x6  }
0xe0: {  	s14 =	ssub.s32 $0x80, s14;
	s19 =	simm.s32 $0x0;
	s17 =	sshra.s32 s17, $0x2  }
0xe1: {  	s20 =	simm.s32 $0x0;
	s18 =	sadd.s32 $0x10000, s17;
	s17 =	sadd.s32 $0x80000001, s16  }
.LBB2_13:
0xe2: {  	v4 =	vld [tilespmem:s18+$0x0];
	_ =	sdelay $0x4  }
0xe3: {  	(xrf0) =	vadd.scan.msk.s32 $0xffff, v4;
	_ =	sdelay $0x5  }
0xe4: {  	v4, _, _ =	vpop (xrf0)  }
0xe5: {  	(v2sf) =	vpush v4, $0xF;
	_ =	sdelay $0xe  }
0xe6: {  	s16 =	smov.u32 s20;
	s31 =	spop (v2sf)  }
0xe7: {  	s20 =	sadd.s32 s16, s31  }
0xe8: {  	p0 =	slt.s32 s20, s14  }
.Ltmp5:
0xe9: {  	_ = 	snop;
	(pc) =	sbr.rel @p0 .LBB2_13-.Ltmp5, $2  }
0xea: {  	_ =	sdelay $0x2  }
0xeb: {  	s18 =	sadd.s32 $0xFFFFFFF0, s18;
	s17 =	sadd.s32 $0xFFFFFFFF, s17  }
0xec: {  	s18 =	sshra.s32 s19, $0x2;
	s19 =	sadd.s32 $0x200, s19  }
.LBB2_15:
0xed: {  	p0 =	seq.s32 s19, $0x3E00;
	[tilespmem:s18+$0x10070] =	vst v2  }
0xee: {  	[tilespmem:s18+$0x10000] =	vst v2  }
0xef: {  	[tilespmem:s18+$0x10010] =	vst v2  }
.Ltmp6:
0xf0: {  	[tilespmem:s18+$0x10020] =	vst v2;
	(pc) =	sbr.rel @!p0 .LBB2_15-.Ltmp6, $4  }
0xf1: {  	[tilespmem:s18+$0x10030] =	vst v2  }
0xf2: {  	[tilespmem:s18+$0x10040] =	vst v2  }
0xf3: {  	[tilespmem:s18+$0x10050] =	vst v2  }
0xf4: {  	[tilespmem:s18+$0x10060] =	vst v2;
	s18 =	sshra.s32 s19, $0x2;
	s19 =	sadd.s32 $0x200, s19  }
0xf5: {  	[tilespmem:s18+$0x10070] =	vst v2  }
0xf6: {  	[tilespmem:s18+$0x10000] =	vst v2  }
0xf7: {  	[tilespmem:s18+$0x10010] =	vst v2  }
0xf8: {  	[tilespmem:s18+$0x10020] =	vst v2  }
0xf9: {  	[tilespmem:s18+$0x10030] =	vst v2  }
0xfa: {  	[tilespmem:s18+$0x10040] =	vst v2;
	s15 =	sshll.u32 s15, $0x8  }
0xfb: {  	[tilespmem:s18+$0x10050] =	vst v2;
	s15 =	sor.u32 s15, s17  }
0xfc: {  	[tilespmem:s18+$0x10060] =	vst v2;
	v5 =	vimm.s32 $0x0;
	s17 =	simm.s32 $0x0;
	v4 =	vmov s15  }
.LBB2_17:
0xfd: {  	s18 =	sshra.s32 s17, $0x2  }
0xfe: {  	v6 =	vld [tilespmem:s18+$0x8000];
	_ =	sdelay $0x4  }
0xff: {  	v7 =	vshrl.u32 v6, $0x8  }
0x100: {  	v6 =	vshra.s32 v6, $0x10;
	v8 =	vshll.u32 v7, $0x4  }
0x101: {  	vm0 =	veq.s32 v6, v4;
	v6 =	vor.u32 v0, v8  }
0x102: {  	v6 =	vand.u32 $0xFFF, v6;
	_ =	sdelay $0x4  }
0x103: {  	[tilespmem:v6+s10+$0x0] =	vst.idx.add.s32.msk vm0, v1  }
0x104: {  	v6 =	vld [tilespmem:s18+$0x8010];
	_ =	sdelay $0x4  }
0x105: {  	v56 =	vshrl.u32 v6, $0x8  }
0x106: {  	v6 =	vshra.s32 v6, $0x10;
	v9 =	vshll.u32 v56, $0x4  }
0x107: {  	vm1 =	veq.s32 v6, v4;
	v6 =	vor.u32 v0, v9  }
0x108: {  	v6 =	vand.u32 $0xFFF, v6;
	_ =	sdelay $0x4  }
0x109: {  	[tilespmem:v6+s10+$0x0] =	vst.idx.add.s32.msk vm1, v1  }
0x10a: {  	v6 =	vld [tilespmem:s18+$0x8020];
	_ =	sdelay $0x4  }
0x10b: {  	v57 =	vshrl.u32 v6, $0x8  }
0x10c: {  	v6 =	vshra.s32 v6, $0x10;
	v10 =	vshll.u32 v57, $0x4  }
0x10d: {  	vm2 =	veq.s32 v6, v4;
	v6 =	vor.u32 v0, v10  }
0x10e: {  	v6 =	vand.u32 $0xFFF, v6;
	_ =	sdelay $0x4  }
0x10f: {  	[tilespmem:v6+s10+$0x0] =	vst.idx.add.s32.msk vm2, v1  }
0x110: {  	v6 =	vld [tilespmem:s18+$0x8030];
	_ =	sdelay $0x4  }
0x111: {  	v58 =	vshrl.u32 v6, $0x8  }
0x112: {  	v6 =	vshra.s32 v6, $0x10;
	v11 =	vshll.u32 v58, $0x4  }
0x113: {  	vm3 =	veq.s32 v6, v4;
	v6 =	vor.u32 v0, v11  }
0x114: {  	v6 =	vand.u32 $0xFFF, v6;
	_ =	sdelay $0x4  }
0x115: {  	[tilespmem:v6+s10+$0x0] =	vst.idx.add.s32.msk vm3, v1  }
0x116: {  	v6 =	vld [tilespmem:s18+$0x8040];
	_ =	sdelay $0x4  }
0x117: {  	v59 =	vshrl.u32 v6, $0x8  }
0x118: {  	v6 =	vshra.s32 v6, $0x10;
	v12 =	vshll.u32 v59, $0x4  }
0x119: {  	vm4 =	veq.s32 v6, v4;
	v6 =	vor.u32 v0, v12  }
0x11a: {  	v6 =	vand.u32 $0xFFF, v6;
	_ =	sdelay $0x4  }
0x11b: {  	[tilespmem:v6+s10+$0x0] =	vst.idx.add.s32.msk vm4, v1  }
0x11c: {  	v6 =	vld [tilespmem:s18+$0x8050];
	_ =	sdelay $0x4  }
0x11d: {  	v60 =	vshrl.u32 v6, $0x8  }
0x11e: {  	v6 =	vshra.s32 v6, $0x10;
	v13 =	vshll.u32 v60, $0x4  }
0x11f: {  	vm5 =	veq.s32 v6, v4;
	v6 =	vor.u32 v0, v13  }
0x120: {  	v6 =	vand.u32 $0xFFF, v6;
	_ =	sdelay $0x4  }
0x121: {  	[tilespmem:v6+s10+$0x0] =	vst.idx.add.s32.msk vm5, v1  }
0x122: {  	v6 =	vld [tilespmem:s18+$0x8060];
	_ =	sdelay $0x4  }
0x123: {  	v61 =	vshrl.u32 v6, $0x8  }
0x124: {  	v6 =	vshra.s32 v6, $0x10;
	v14 =	vshll.u32 v61, $0x4  }
0x125: {  	vm6 =	veq.s32 v6, v4;
	v6 =	vand.u32 $0xFF, v7;
	v7 =	vor.u32 v0, v14  }
0x126: {  	vm7 =	vgt.s32 v5, v6;
	v7 =	vand.u32 $0xFFF, v7  }
0x127: {  	v6 =	vsel vm7, v5, v6  }
0x128: {  	v5 =	vsel vm0, v6, v5;
	v6 =	vand.u32 $0xFF, v56  }
0x129: {  	vm0 =	vgt.s32 v5, v6  }
0x12a: {  	v6 =	vsel vm0, v5, v6  }
0x12b: {  	v5 =	vsel vm1, v6, v5;
	v6 =	vand.u32 $0xFF, v57;
	[tilespmem:v7+s10+$0x0] =	vst.idx.add.s32.msk vm6, v1  }
0x12c: {  	vm13 =	vgt.s32 v5, v6;
	v7 =	vld [tilespmem:s18+$0x8070]  }
0x12d: {  	v62 =	vand.u32 $0xFF, v58;
	v6 =	vsel vm13, v5, v6  }
0x12e: {  	v5 =	vsel vm2, v6, v5;
	v6 =	vnsel vm3, $0x0, v62  }
0x12f: {  	vm14 =	vgt.s32 v5, v6  }
0x130: {  	v5 =	vsel vm14, v5, v6;
	v6 =	vand.u32 $0xFF, v59  }
0x131: {  	v6 =	vmax.u32 v5, v6;
	v63 =	vshrl.u32 v7, $0x8  }
0x132: {  	v5 =	vsel vm4, v6, v5;
	v6 =	vshra.s32 v7, $0x10;
	v7 =	vshll.u32 v63, $0x4  }
0x133: {  	vm15 =	veq.s32 v6, v4;
	v6 =	vand.u32 $0xFF, v60;
	v7 =	vor.u32 v0, v7  }
0x134: {  	p0 =	sne.s32 s17, $0x1FE00;
	v6 =	vmax.u32 v5, v6;
	v7 =	vand.u32 $0xFFF, v7  }
.Ltmp7:
0x135: {  	v5 =	vsel vm5, v6, v5;
	v6 =	vand.u32 $0xFF, v61;
	(pc) =	sbr.rel @p0 .LBB2_17-.Ltmp7, $4  }
0x136: {  	v6 =	vmax.u32 v5, v6  }
0x137: {  	v5 =	vsel vm6, v6, v5;
	v6 =	vand.u32 $0xFF, v63  }
0x138: {  	v6 =	vmax.u32 v5, v6  }
0x139: {  	s17 =	sadd.s32 $0x200, s17;
	v5 =	vsel vm15, v6, v5;
	[tilespmem:v7+s10+$0x0] =	vst.idx.add.s32.msk vm15, v1  }
0x13a: {  	v4 =	vxor.u32 $0x80000000, v5  }
0x13b: {  	(xrf0) =	vmax.scan.msk.u32 $0xffff, v4;
	_ =	sdelay $0x5  }
0x13c: {  	v4, _, _ =	vpop (xrf0)  }
0x13d: {  	(v2sf) =	vpush v4, $0xF;
	_ =	sdelay $0xe  }
0x13e: {  	s17 =	spop (v2sf)  }
0x13f: {  	s18 =	sshll.u32 s17, $0x6  }
0x140: {  	s14 =	ssub.s32 s14, s16;
	s19 =	simm.s32 $0x0;
	s18 =	sshra.s32 s18, $0x2  }
0x141: {  	s20 =	simm.s32 $0x0;
	s17 =	sadd.s32 $0x80000001, s17;
	s18 =	sadd.s32 $0x10000, s18  }
.LBB2_19:
0x142: {  	v4 =	vld [tilespmem:s18+$0x0];
	_ =	sdelay $0x4  }
0x143: {  	(xrf0) =	vadd.scan.msk.s32 $0xffff, v4;
	_ =	sdelay $0x5  }
0x144: {  	v4, _, _ =	vpop (xrf0)  }
0x145: {  	(v2sf) =	vpush v4, $0xF;
	_ =	sdelay $0xe  }
0x146: {  	s16 =	smov.u32 s20;
	s31 =	spop (v2sf)  }
0x147: {  	s20 =	sadd.s32 s16, s31  }
0x148: {  	p0 =	slt.s32 s20, s14  }
.Ltmp8:
0x149: {  	_ = 	snop;
	(pc) =	sbr.rel @p0 .LBB2_19-.Ltmp8, $2  }
0x14a: {  	_ =	sdelay $0x2  }
0x14b: {  	s18 =	sadd.s32 $0xFFFFFFF0, s18;
	s17 =	sadd.s32 $0xFFFFFFFF, s17  }
0x14c: {  	s18 =	sshra.s32 s19, $0x2;
	s19 =	sadd.s32 $0x200, s19  }
.LBB2_21:
0x14d: {  	p0 =	seq.s32 s19, $0x3E00;
	[tilespmem:s18+$0x10070] =	vst v2  }
0x14e: {  	[tilespmem:s18+$0x10000] =	vst v2  }
0x14f: {  	[tilespmem:s18+$0x10010] =	vst v2  }
.Ltmp9:
0x150: {  	[tilespmem:s18+$0x10020] =	vst v2;
	(pc) =	sbr.rel @!p0 .LBB2_21-.Ltmp9, $4  }
0x151: {  	[tilespmem:s18+$0x10030] =	vst v2  }
0x152: {  	[tilespmem:s18+$0x10040] =	vst v2  }
0x153: {  	[tilespmem:s18+$0x10050] =	vst v2  }
0x154: {  	[tilespmem:s18+$0x10060] =	vst v2;
	s18 =	sshra.s32 s19, $0x2;
	s19 =	sadd.s32 $0x200, s19  }
0x155: {  	[tilespmem:s18+$0x10070] =	vst v2  }
0x156: {  	[tilespmem:s18+$0x10000] =	vst v2  }
0x157: {  	[tilespmem:s18+$0x10010] =	vst v2  }
0x158: {  	[tilespmem:s18+$0x10020] =	vst v2  }
0x159: {  	[tilespmem:s18+$0x10030] =	vst v2  }
0x15a: {  	[tilespmem:s18+$0x10040] =	vst v2;
	s15 =	sshll.u32 s15, $0x8  }
0x15b: {  	[tilespmem:s18+$0x10050] =	vst v2;
	s15 =	sor.u32 s15, s17  }
0x15c: {  	[tilespmem:s18+$0x10060] =	vst v2;
	v5 =	vimm.s32 $0x0;
	s17 =	simm.s32 $0x0;
	v4 =	vmov s15  }
.LBB2_23:
0x15d: {  	s18 =	sshra.s32 s17, $0x2  }
0x15e: {  	v6 =	vld [tilespmem:s18+$0x8000];
	_ =	sdelay $0x4  }
0x15f: {  	v7 =	vshra.s32 v6, $0x8;
	v6 =	vand.u32 $0xFF, v6  }
0x160: {  	vm0 =	veq.s32 v7, v4;
	v7 =	vshll.u32 v6, $0x4  }
0x161: {  	v7 =	vor.u32 v0, v7;
	_ =	sdelay $0x4  }
0x162: {  	[tilespmem:v7+s10+$0x0] =	vst.idx.add.s32.msk vm0, v1  }
0x163: {  	v7 =	vld [tilespmem:s18+$0x8010];
	_ =	sdelay $0x4  }
0x164: {  	v8 =	vshra.s32 v7, $0x8;
	v7 =	vand.u32 $0xFF, v7  }
0x165: {  	vm1 =	veq.s32 v8, v4;
	v56 =	vshll.u32 v7, $0x4  }
0x166: {  	v8 =	vor.u32 v0, v56;
	_ =	sdelay $0x4  }
0x167: {  	[tilespmem:v8+s10+$0x0] =	vst.idx.add.s32.msk vm1, v1  }
0x168: {  	v8 =	vld [tilespmem:s18+$0x8020];
	_ =	sdelay $0x4  }
0x169: {  	v9 =	vshra.s32 v8, $0x8;
	v8 =	vand.u32 $0xFF, v8  }
0x16a: {  	vm2 =	veq.s32 v9, v4;
	v57 =	vshll.u32 v8, $0x4  }
0x16b: {  	v9 =	vor.u32 v0, v57;
	_ =	sdelay $0x4  }
0x16c: {  	[tilespmem:v9+s10+$0x0] =	vst.idx.add.s32.msk vm2, v1  }
0x16d: {  	v9 =	vld [tilespmem:s18+$0x8030];
	_ =	sdelay $0x4  }
0x16e: {  	v10 =	vshra.s32 v9, $0x8;
	v9 =	vand.u32 $0xFF, v9  }
0x16f: {  	vm3 =	veq.s32 v10, v4;
	v58 =	vshll.u32 v9, $0x4  }
0x170: {  	v10 =	vor.u32 v0, v58;
	_ =	sdelay $0x4  }
0x171: {  	[tilespmem:v10+s10+$0x0] =	vst.idx.add.s32.msk vm3, v1  }
0x172: {  	v10 =	vld [tilespmem:s18+$0x8040];
	_ =	sdelay $0x4  }
0x173: {  	v11 =	vshra.s32 v10, $0x8;
	v10 =	vand.u32 $0xFF, v10  }
0x174: {  	vm4 =	veq.s32 v11, v4;
	v59 =	vshll.u32 v10, $0x4  }
0x175: {  	v11 =	vor.u32 v0, v59;
	_ =	sdelay $0x4  }
0x176: {  	[tilespmem:v11+s10+$0x0] =	vst.idx.add.s32.msk vm4, v1  }
0x177: {  	v11 =	vld [tilespmem:s18+$0x8050];
	_ =	sdelay $0x4  }
0x178: {  	v12 =	vshra.s32 v11, $0x8;
	v11 =	vand.u32 $0xFF, v11  }
0x179: {  	vm5 =	veq.s32 v12, v4;
	v60 =	vshll.u32 v11, $0x4  }
0x17a: {  	v12 =	vor.u32 v0, v60;
	_ =	sdelay $0x4  }
0x17b: {  	[tilespmem:v12+s10+$0x0] =	vst.idx.add.s32.msk vm5, v1  }
0x17c: {  	v12 =	vld [tilespmem:s18+$0x8060];
	_ =	sdelay $0x4  }
0x17d: {  	v13 =	vshra.s32 v12, $0x8;
	v12 =	vand.u32 $0xFF, v12  }
0x17e: {  	vm6 =	veq.s32 v13, v4;
	v61 =	vshll.u32 v12, $0x4  }
0x17f: {  	vm7 =	vgt.s32 v5, v6;
	v13 =	vor.u32 v0, v61  }
0x180: {  	v6 =	vsel vm7, v5, v6  }
0x181: {  	v5 =	vsel vm0, v6, v5  }
0x182: {  	vm0 =	vgt.s32 v5, v7  }
0x183: {  	v6 =	vsel vm0, v5, v7  }
0x184: {  	v5 =	vsel vm1, v6, v5;
	[tilespmem:v13+s10+$0x0] =	vst.idx.add.s32.msk vm6, v1  }
0x185: {  	vm13 =	vgt.s32 v5, v8;
	v6 =	vld [tilespmem:s18+$0x8070]  }
0x186: {  	v7 =	vsel vm13, v5, v8  }
0x187: {  	v5 =	vsel vm2, v7, v5;
	v7 =	vnsel vm3, $0x0, v9  }
0x188: {  	vm14 =	vgt.s32 v5, v7  }
0x189: {  	v5 =	vsel vm14, v5, v7  }
0x18a: {  	v7 =	vmax.u32 v5, v10;
	v62 =	vshra.s32 v6, $0x8;
	v6 =	vand.u32 $0xFF, v6  }
0x18b: {  	v5 =	vsel vm4, v7, v5;
	vm15 =	veq.s32 v62, v4;
	v7 =	vshll.u32 v6, $0x4  }
0x18c: {  	p0 =	sne.s32 s17, $0x1FE00;
	v63 =	vmax.u32 v5, v11;
	v7 =	vor.u32 v0, v7  }
.Ltmp10:
0x18d: {  	v5 =	vsel vm5, v63, v5;
	(pc) =	sbr.rel @p0 .LBB2_23-.Ltmp10, $4  }
0x18e: {  	v8 =	vmax.u32 v5, v12  }
0x18f: {  	v5 =	vsel vm6, v8, v5  }
0x190: {  	v6 =	vmax.u32 v5, v6  }
0x191: {  	s17 =	sadd.s32 $0x200, s17;
	v5 =	vsel vm15, v6, v5;
	[tilespmem:v7+s10+$0x0] =	vst.idx.add.s32.msk vm15, v1  }
0x192: {  	v4 =	vxor.u32 $0x80000000, v5  }
0x193: {  	(xrf0) =	vmax.scan.msk.u32 $0xffff, v4;
	_ =	sdelay $0x5  }
0x194: {  	v4, _, _ =	vpop (xrf0)  }
0x195: {  	(v2sf) =	vpush v4, $0xF;
	_ =	sdelay $0xe  }
0x196: {  	s18 =	spop (v2sf)  }
0x197: {  	s17 =	sshll.u32 s18, $0x6  }
0x198: {  	s16 =	ssub.s32 s14, s16;
	s31 =	sshra.s32 s17, $0x2  }
0x199: {  	s14 =	sadd.s32 $0x80000001, s18;
	s18 =	simm.s32 $0x0;
	s17 =	sadd.s32 $0x10000, s31  }
.LBB2_25:
0x19a: {  	v4 =	vld [tilespmem:s17+$0x0];
	_ =	sdelay $0x4  }
0x19b: {  	(xrf0) =	vadd.scan.msk.s32 $0xffff, v4;
	_ =	sdelay $0x5  }
0x19c: {  	v4, _, _ =	vpop (xrf0)  }
0x19d: {  	(v2sf) =	vpush v4, $0xF;
	_ =	sdelay $0xe  }
0x19e: {  	s19 =	spop (v2sf)  }
0x19f: {  	s18 =	sadd.s32 s18, s19  }
0x1a0: {  	p0 =	slt.s32 s18, s16  }
.Ltmp11:
0x1a1: {  	_ = 	snop;
	(pc) =	sbr.rel @p0 .LBB2_25-.Ltmp11, $2  }
0x1a2: {  	_ =	sdelay $0x2  }
0x1a3: {  	s17 =	sadd.s32 $0xFFFFFFF0, s17;
	s14 =	sadd.s32 $0xFFFFFFFF, s14  }
0x1a4: {  	s16 =	sand.u32 $0xF, s13  }
0x1a5: {  	p0 =	sne.s32 s16, $0xF  }
0x1a6: {  	v4 =	vmov s16;
	s16 =	sand.u32 @!p0 $0x30, s13;
	s13 =	sadd.s32 $0x1, s13  }
0x1a7: {  	p1 =	sne.s32 s13, $0x40  }
.Ltmp12:
0x1a8: {  	_ = 	snop;
	(pc) =	sbr.rel @p1 .LBB2_2-.Ltmp12, $4  }
0x1a9: {  	s15 =	sshll.u32 s15, $0x8  }
0x1aa: {  	s14 =	sor.u32 s15, s14;
	vm0 =	veq.s32 v4, v0  }
0x1ab: {  	v3 =	vsel vm0, s14, v3  }
0x1ac: {  	[tilespmem:s16+$0x11000] =	vst @!p0 v3  }
0x1ad: {  	s12 =	sadd.s32 $0x1, s12  }
0x1ae: {  	p0 =	sne.s32 s12, s6  }
.Ltmp13:
0x1af: {  	_ = 	snop;
	(pc) =	sbr.rel @p0 .LBB2_1-.Ltmp13, $4  }
0x1b0: {  	[hbm4b:s5+s4] =	stream.linear.scatter [tilespmem:s11], [sflag:$0x1], $0x40, $0x38;
	[tilespmem:$0x11080] =	vst v63  }
0x1b1: {  	_ =	swait.ge [sflag:s9], $0x40  }
0x1b2: {  	[sflag:s9] =	ssyncset.done $0x0  }
0x1b3: {  	[sflag:s9] =	ssyncadd.s32 $0xFFFFFFC0  }
0x1b4: {  	_ =	sfence.sel $0x180000  }
0x1b5: {  	[bflag:$0x0] =	sbarrier.arrive $0xFFFF  }
0x1b6: {  	p0 =	sne.s32 s0, $0x0;
	_ =	strace $0x90000047  }
0x1b7: {  	s0 =	sadd.s32 @!p0 $0x100000, s1;
	[bflag:$0x2] =	sbarrier.arrive $0xFFFF  }
0x1b8: {  	[sflag:s0] =	ssyncadd.tile.s32 @!p0 $0x1;
	_ =	shalt  }
.Lfunc_end2:
_tile_overlayer_lowered:
.L_overlay_start_2:
0x1b9: {  	(tag) =	ssettag $0x2  }
0x1ba: {  	s0 =	rddreg [dreg:$0x0];
	s2 =	stileid.u32  }
0x1bb: {  	s1 =	rddreg [dreg:$0x1];
	p0 =	sne.s32 s2, $0x0  }
0x1bc: {  	s3 =	rddreg [dreg:$0x2];
	[bflag:$0x3] =	sbarrier.arrive $0xFFFF;
	s2 =	simm.s32 @!p0 $0x1C01  }
0x1bd: {  	[timem:s3], [sflag:s2] =	dma.local @!p0 [hbm:s0], s1  }
0x1be: {  	s0 =	simm.s32 @!p0 $0x1  }
0x1bf: {  	_ =	swait.ge @!p0 [sflag:s0], s1  }
0x1c0: {  	s1 =	ssub.s32 @!p0 $0x0, s1;
	[sflag:s0] =	ssyncset.done @!p0 $0x0  }
0x1c1: {  	[sflag:s0] =	ssyncadd.s32 @!p0 s1  }
0x1c2: {  	[bflag:$0x3] =	sbarrier.arrive $0xFFFF  }
0x1c3: {  	_ =	shalt  }

</sc_bundles>
